<compile_context>
chip_gen: v7x
topology: tpu7x:2x2x1
jax: 0.10.2.dev20260603
libtpu: 0.0.44.dev20260713+nightly
codegen_flags: <defaults>
</compile_context>

<pallas_src>
import functools
import math

import jax
import jax.numpy as jnp
from jax import lax
from jax.experimental import pallas as pl
from jax.experimental.pallas import tpu as pltpu
from jax.experimental.pallas import tpu_sc as plsc

TIME = 288
F = 256
B = 64
N = 883
NPAD = 896
NFULL = 55
NTAIL = N - 16
TWO_PI = 2.0 * math.pi


def _prologue_body(d_ref, w_ref, td_ref,
                   didx_ref, widx_ref, sd_ref, sw_ref, tdt_ref):
    d = d_ref[...]
    w = w_ref[...]
    di = jnp.clip((d * float(TIME)).astype(jnp.int32), 0, TIME - 1)
    didx_ref[...] = di
    wi = jnp.clip(w.astype(jnp.int32), 0, 6)
    widx_ref[...] = wi * (F * 16)
    ad = d * (TWO_PI / TIME)
    aw = w * (TWO_PI / 7.0)
    sd_ref[...] = jnp.sin(ad) + jnp.cos(ad)
    sw_ref[...] = jnp.sin(aw) + jnp.cos(aw)
    tdt_ref[...] = td_ref[...].T


def _sc_body(tday, tweek, wcd, wcw, didx, widx, sdh, swh, out_hbm,
             tday_v, tweek_v, wcd_v, wcw_v, didx_v, widx_v, sd_v, sw_v, obuf,
             osem):
    cid = lax.axis_index("c")
    sid = lax.axis_index("s")
    wid = sid * 2 + cid
    pltpu.sync_copy(tday, tday_v)
    pltpu.sync_copy(tweek, tweek_v)
    pltpu.sync_copy(wcd, wcd_v)
    pltpu.sync_copy(wcw, wcw_v)

    for bi in range(2):
        b = wid * 2 + bi
        nb = b * NPAD
        pltpu.sync_copy(didx.at[pl.ds(nb, NPAD)], didx_v)
        pltpu.sync_copy(widx.at[pl.ds(nb, NPAD)], widx_v)
        pltpu.sync_copy(sdh.at[pl.ds(nb, NPAD)], sd_v)
        pltpu.sync_copy(swh.at[pl.ds(nb, NPAD)], sw_v)

        def octet_body(o, carry_b):
            f0 = o * 8
            slot = lax.rem(o, 2)
            f0_splat288 = jnp.full((16,), f0 * TIME, jnp.int32)
            base_s = lax.iota(jnp.int32, 16) + f0 * 16
            splats = []
            for f in range(8):
                fidx = base_s + f * 16
                wcd_s = plsc.load_gather(wcd_v, [fidx])
                wcw_s = plsc.load_gather(wcw_v, [fidx])
                splats.append((wcd_s, wcw_s))

            @pl.when(o >= 2)
            def _wait_prev():
                pltpu.make_async_copy(
                    obuf.at[slot], out_hbm.at[carry_b, pl.ds(f0, 8)], osem
                ).wait()

            def do_chunk(off):
                dix = didx_v[pl.ds(off, 16)]
                wix = widx_v[pl.ds(off, 16)]
                sdc = sd_v[pl.ds(off, 16)]
                swc = sw_v[pl.ds(off, 16)]
                base_d = dix + f0_splat288
                base_w = wix + base_s
                for q in range(2):
                    gds = [plsc.load_gather(tday_v, [base_d + f * TIME])
                           for f in range(q * 4, q * 4 + 4)]
                    gws = [plsc.load_gather(tweek_v, [base_w + f * 16])
                           for f in range(q * 4, q * 4 + 4)]
                    for j in range(4):
                        f = q * 4 + j
                        wcd_s, wcw_s = splats[f]
                        val = (gds[j] + gws[j]) + (sdc * wcd_s + swc * wcw_s)
                        obuf[slot, f, pl.ds(off, 16)] = val

            @plsc.parallel_loop(0, NFULL, 1, unroll=1)
            def _chunks(c):
                do_chunk(c * 16)

            do_chunk(NTAIL)
            pltpu.async_copy(
                obuf.at[slot], out_hbm.at[carry_b, pl.ds(f0, 8)], osem
            )
            return carry_b

        lax.fori_loop(0, F // 8, octet_body, b, unroll=False)
        for s in range(2):
            pltpu.make_async_copy(
                obuf.at[s], out_hbm.at[b, pl.ds(0, 8)], osem
            ).wait()


def _build_sc_kernel():
    mesh = plsc.VectorSubcoreMesh(core_axis_name="c", subcore_axis_name="s")
    return functools.partial(
        pl.kernel,
        mesh=mesh,
        out_type=jax.ShapeDtypeStruct((B, F, N), jnp.float32),
        compiler_params=pltpu.CompilerParams(needs_layout_passes=False),
        scratch_types=[
            pltpu.VMEM((TIME * F,), jnp.float32),
            pltpu.VMEM((7 * F * 16,), jnp.float32),
            pltpu.VMEM((F * 16,), jnp.float32),
            pltpu.VMEM((F * 16,), jnp.float32),
            pltpu.VMEM((NPAD,), jnp.int32),
            pltpu.VMEM((NPAD,), jnp.int32),
            pltpu.VMEM((NPAD,), jnp.float32),
            pltpu.VMEM((NPAD,), jnp.float32),
            pltpu.VMEM((2, 8, N), jnp.float32),
            pltpu.SemaphoreType.DMA,
        ],
    )(_sc_body)


_sc_kernel = _build_sc_kernel()


@jax.jit
def kernel(x, time_day, time_week, W_cd, b_cd, W_cw, b_cw):
    d = x[:, -1, :, 1]
    w = x[:, -1, :, 2]
    pad = ((0, 0), (0, NPAD - N))
    d = jnp.pad(d, pad)
    w = jnp.pad(w, pad)
    tw2 = time_week + b_cd.reshape(1, F) + b_cw.reshape(1, F)
    twr = jnp.repeat(tw2.reshape(-1), 16)
    wcdr = jnp.repeat(W_cd.reshape(-1), 16)
    wcwr = jnp.repeat(W_cw.reshape(-1), 16)

    didx, widx, sd, sw, tdt = pl.pallas_call(
        _prologue_body,
        out_shape=(
            jax.ShapeDtypeStruct((B * NPAD,), jnp.int32),
            jax.ShapeDtypeStruct((B * NPAD,), jnp.int32),
            jax.ShapeDtypeStruct((B * NPAD,), jnp.float32),
            jax.ShapeDtypeStruct((B * NPAD,), jnp.float32),
            jax.ShapeDtypeStruct((F, TIME), jnp.float32),
        ),
    )(d.reshape(-1), w.reshape(-1), time_day)

    out = _sc_kernel(
        tdt.reshape(-1),
        twr,
        wcdr,
        wcwr,
        didx,
        widx,
        sd,
        sw,
    )
    return out[..., None]

# --- scband reference (transcript-rebuilt; emitter-appended) ---
"""Pipeline reference for scband-temporal-embedding-22497038697076 (READ-ONLY COPY).

The authoritative reference and input builder live on the scoring server;
editing this copy changes nothing except your own understanding.
"""

import jax, jax.numpy as jnp
import numpy as np

TIME = 288
FEATURES = 256
B, T, N = 64, 12, 883

def setup_inputs(seed: int = 0) -> dict:
    key = jax.random.key(seed)
    ks = jax.random.split(key, 7)
    # x channels: [..., 1] = normalized time-of-day in [0,1), [..., 2] = day-of-week signal
    x = jax.random.uniform(ks[0], (B, T, N, 3), dtype=jnp.float32)
    # xavier_uniform for embedding tables
    lim_td = float(np.sqrt(6.0 / (TIME + FEATURES)))
    time_day = jax.random.uniform(ks[1], (TIME, FEATURES), minval=-lim_td, maxval=lim_td, dtype=jnp.float32)
    lim_tw = float(np.sqrt(6.0 / (7 + FEATURES)))
    time_week = jax.random.uniform(ks[2], (7, FEATURES), minval=-lim_tw, maxval=lim_tw, dtype=jnp.float32)
    # nn.Linear(1, features): uniform(-sqrt(1/in_features), +sqrt(1/in_features)) with in_features=1
    W_cd = jax.random.uniform(ks[3], (FEATURES, 1), minval=-1.0, maxval=1.0, dtype=jnp.float32)
    b_cd = jax.random.uniform(ks[4], (FEATURES,), minval=-1.0, maxval=1.0, dtype=jnp.float32)
    W_cw = jax.random.uniform(ks[5], (FEATURES, 1), minval=-1.0, maxval=1.0, dtype=jnp.float32)
    b_cw = jax.random.uniform(ks[6], (FEATURES,), minval=-1.0, maxval=1.0, dtype=jnp.float32)
    return {"x": x, "time_day": time_day, "time_week": time_week,
            "W_cd": W_cd, "b_cd": b_cd, "W_cw": W_cw, "b_cw": b_cw}

def reference(x, time_day, time_week, W_cd, b_cd, W_cw, b_cw):
    time = time_day.shape[0]
    day_emb = x[..., 1]                      # [B, T, N]
    day_last = day_emb[:, -1, :]             # [B, N]
    day_idx = jnp.clip(jax.lax.stop_gradient(day_last * time).astype(jnp.int32), 0, time - 1)
    td = jnp.take(time_day, day_idx, axis=0)  # [B, N, F]
    td = jnp.transpose(td, (0, 2, 1))[..., None]  # [B, F, N, 1]
    week_emb = x[..., 2]
    week_last = week_emb[:, -1, :]
    week_idx = jnp.clip(jax.lax.stop_gradient(week_last).astype(jnp.int32), 0, 6)
    tw = jnp.take(time_week, week_idx, axis=0)
    tw = jnp.transpose(tw, (0, 2, 1))[..., None]
    norm_day = day_last[..., None]            # [B, N, 1]
    norm_week = week_last[..., None]
    sincos_day = jnp.sin(norm_day * 2 * jnp.pi / time) + jnp.cos(norm_day * 2 * jnp.pi / time)
    sincos_week = jnp.sin(norm_week * 2 * jnp.pi / 7) + jnp.cos(norm_week * 2 * jnp.pi / 7)
    cd = sincos_day @ W_cd.T + b_cd           # [B, N, F]
    cd = jnp.transpose(cd[..., None], (0, 2, 1, 3))  # [B, F, N, 1]
    cw = sincos_week @ W_cw.T + b_cw
    cw = jnp.transpose(cw[..., None], (0, 2, 1, 3))
    return td + tw + cd + cw

if __name__ == "__main__":
    import jax
    _d = setup_inputs()
    print(jax.jit(kernel)(*tuple(_d.values())))

</pallas_src>

<mosaic_0001>
#map = affine_map<(d0, d1) -> (0)>
#map1 = affine_map<(d0, d1) -> (0, 0, 0)>
module attributes {stable_mosaic.version = 14 : i64} {
  func.func @_sc_body(%arg0: i32, %arg1: i32, %arg2: memref<73728xf32, #tpu.memory_space<hbm>>, %arg3: memref<28672xf32, #tpu.memory_space<hbm>>, %arg4: memref<4096xf32, #tpu.memory_space<hbm>>, %arg5: memref<4096xf32, #tpu.memory_space<hbm>>, %arg6: memref<57344xi32, #tpu.memory_space<hbm>>, %arg7: memref<57344xi32, #tpu.memory_space<hbm>>, %arg8: memref<57344xf32, #tpu.memory_space<hbm>>, %arg9: memref<57344xf32, #tpu.memory_space<hbm>>, %arg10: memref<64x256x883xf32, #tpu.memory_space<hbm>>, %arg11: memref<73728xf32, #tpu.memory_space<vmem>>, %arg12: memref<28672xf32, #tpu.memory_space<vmem>>, %arg13: memref<4096xf32, #tpu.memory_space<vmem>>, %arg14: memref<4096xf32, #tpu.memory_space<vmem>>, %arg15: memref<896xi32, #tpu.memory_space<vmem>>, %arg16: memref<896xi32, #tpu.memory_space<vmem>>, %arg17: memref<896xf32, #tpu.memory_space<vmem>>, %arg18: memref<896xf32, #tpu.memory_space<vmem>>, %arg19: memref<2x8x883xf32, #tpu.memory_space<vmem>>, %arg20: memref<!tpu.dma_semaphore, #tpu.memory_space<semaphore_mem>>) attributes {dimension_semantics = [#tpu.dimension_semantics<core_parallel>, #tpu.dimension_semantics<subcore_parallel>], iteration_bounds = array<i64: 2, 16>, scalar_prefetch = 0 : i64, scratch_operands = 10 : i64, tpu.core_type = #tpu.core_type<sc_vector_subcore>, window_params = [{transform_indices = #map}, {transform_indices = #map}, {transform_indices = #map}, {transform_indices = #map}, {transform_indices = #map}, {transform_indices = #map}, {transform_indices = #map}, {transform_indices = #map}, {transform_indices = #map1}]} {
    %mul3A = arith.constant 2 : i32
    %mul3A_0 = arith.muli %arg1, %mul3A : i32
    %add3A = arith.addi %mul3A_0, %arg0 : i32
    "tpu.region"() ({
      %run_scoped3A = tpu.sem_alloc : memref<!tpu.dma_semaphore, #tpu.memory_space<semaphore_mem>>
      tpu.enqueue_dma source(%arg2 : memref<73728xf32, #tpu.memory_space<hbm>>) target(%arg11 : memref<73728xf32, #tpu.memory_space<vmem>>) target_semaphore(%run_scoped3A : memref<!tpu.dma_semaphore, #tpu.memory_space<semaphore_mem>>)
      tpu.wait_dma2 semaphore(%run_scoped3A : memref<!tpu.dma_semaphore, #tpu.memory_space<semaphore_mem>>) src(%arg2 : memref<73728xf32, #tpu.memory_space<hbm>>) dst(%arg11 : memref<73728xf32, #tpu.memory_space<vmem>>)
      tpu.yield
    }) : () -> ()
    "tpu.region"() ({
      %run_scoped3A = tpu.sem_alloc : memref<!tpu.dma_semaphore, #tpu.memory_space<semaphore_mem>>
      tpu.enqueue_dma source(%arg3 : memref<28672xf32, #tpu.memory_space<hbm>>) target(%arg12 : memref<28672xf32, #tpu.memory_space<vmem>>) target_semaphore(%run_scoped3A : memref<!tpu.dma_semaphore, #tpu.memory_space<semaphore_mem>>)
      tpu.wait_dma2 semaphore(%run_scoped3A : memref<!tpu.dma_semaphore, #tpu.memory_space<semaphore_mem>>) src(%arg3 : memref<28672xf32, #tpu.memory_space<hbm>>) dst(%arg12 : memref<28672xf32, #tpu.memory_space<vmem>>)
      tpu.yield
    }) : () -> ()
    "tpu.region"() ({
      %run_scoped3A = tpu.sem_alloc : memref<!tpu.dma_semaphore, #tpu.memory_space<semaphore_mem>>
      tpu.enqueue_dma source(%arg4 : memref<4096xf32, #tpu.memory_space<hbm>>) target(%arg13 : memref<4096xf32, #tpu.memory_space<vmem>>) target_semaphore(%run_scoped3A : memref<!tpu.dma_semaphore, #tpu.memory_space<semaphore_mem>>)
      tpu.wait_dma2 semaphore(%run_scoped3A : memref<!tpu.dma_semaphore, #tpu.memory_space<semaphore_mem>>) src(%arg4 : memref<4096xf32, #tpu.memory_space<hbm>>) dst(%arg13 : memref<4096xf32, #tpu.memory_space<vmem>>)
      tpu.yield
    }) : () -> ()
    "tpu.region"() ({
      %run_scoped3A = tpu.sem_alloc : memref<!tpu.dma_semaphore, #tpu.memory_space<semaphore_mem>>
      tpu.enqueue_dma source(%arg5 : memref<4096xf32, #tpu.memory_space<hbm>>) target(%arg14 : memref<4096xf32, #tpu.memory_space<vmem>>) target_semaphore(%run_scoped3A : memref<!tpu.dma_semaphore, #tpu.memory_space<semaphore_mem>>)
      tpu.wait_dma2 semaphore(%run_scoped3A : memref<!tpu.dma_semaphore, #tpu.memory_space<semaphore_mem>>) src(%arg5 : memref<4096xf32, #tpu.memory_space<hbm>>) dst(%arg14 : memref<4096xf32, #tpu.memory_space<vmem>>)
      tpu.yield
    }) : () -> ()
    %mul3A_1 = arith.constant 2 : i32
    %mul3A_2 = arith.muli %add3A, %mul3A_1 : i32
    %add3A_3 = arith.constant 0 : i32
    %add3A_4 = arith.addi %mul3A_2, %add3A_3 : i32
    %mul3A_5 = arith.constant 896 : i32
    %mul3A_6 = arith.muli %add3A_4, %mul3A_5 : i32
    "tpu.region"() ({
      %run_scoped3A = tpu.sem_alloc : memref<!tpu.dma_semaphore, #tpu.memory_space<semaphore_mem>>
      %dma_start3A = tpu.memref_slice %arg6[%mul3A_6] : memref<57344xi32, #tpu.memory_space<hbm>> -> memref<896xi32, #tpu.memory_space<hbm>>
      %dma_start3A_89 = tpu.memref_slice %arg6[%mul3A_6] : memref<57344xi32, #tpu.memory_space<hbm>> -> memref<896xi32, #tpu.memory_space<hbm>>
      tpu.enqueue_dma source(%dma_start3A_89 : memref<896xi32, #tpu.memory_space<hbm>>) target(%arg15 : memref<896xi32, #tpu.memory_space<vmem>>) target_semaphore(%run_scoped3A : memref<!tpu.dma_semaphore, #tpu.memory_space<semaphore_mem>>)
      %dma_wait3A_90 = tpu.memref_slice %arg6[%mul3A_6] : memref<57344xi32, #tpu.memory_space<hbm>> -> memref<896xi32, #tpu.memory_space<hbm>>
      %dma_wait3A_91 = tpu.memref_slice %arg6[%mul3A_6] : memref<57344xi32, #tpu.memory_space<hbm>> -> memref<896xi32, #tpu.memory_space<hbm>>
      tpu.wait_dma2 semaphore(%run_scoped3A : memref<!tpu.dma_semaphore, #tpu.memory_space<semaphore_mem>>) src(%dma_wait3A_91 : memref<896xi32, #tpu.memory_space<hbm>>) dst(%arg15 : memref<896xi32, #tpu.memory_space<vmem>>)
      tpu.yield
    }) : () -> ()
    "tpu.region"() ({
      %run_scoped3A = tpu.sem_alloc : memref<!tpu.dma_semaphore, #tpu.memory_space<semaphore_mem>>
      %dma_start3A = tpu.memref_slice %arg7[%mul3A_6] : memref<57344xi32, #tpu.memory_space<hbm>> -> memref<896xi32, #tpu.memory_space<hbm>>
      %dma_start3A_89 = tpu.memref_slice %arg7[%mul3A_6] : memref<57344xi32, #tpu.memory_space<hbm>> -> memref<896xi32, #tpu.memory_space<hbm>>
      tpu.enqueue_dma source(%dma_start3A_89 : memref<896xi32, #tpu.memory_space<hbm>>) target(%arg16 : memref<896xi32, #tpu.memory_space<vmem>>) target_semaphore(%run_scoped3A : memref<!tpu.dma_semaphore, #tpu.memory_space<semaphore_mem>>)
      %dma_wait3A_90 = tpu.memref_slice %arg7[%mul3A_6] : memref<57344xi32, #tpu.memory_space<hbm>> -> memref<896xi32, #tpu.memory_space<hbm>>
      %dma_wait3A_91 = tpu.memref_slice %arg7[%mul3A_6] : memref<57344xi32, #tpu.memory_space<hbm>> -> memref<896xi32, #tpu.memory_space<hbm>>
      tpu.wait_dma2 semaphore(%run_scoped3A : memref<!tpu.dma_semaphore, #tpu.memory_space<semaphore_mem>>) src(%dma_wait3A_91 : memref<896xi32, #tpu.memory_space<hbm>>) dst(%arg16 : memref<896xi32, #tpu.memory_space<vmem>>)
      tpu.yield
    }) : () -> ()
    "tpu.region"() ({
      %run_scoped3A = tpu.sem_alloc : memref<!tpu.dma_semaphore, #tpu.memory_space<semaphore_mem>>
      %dma_start3A = tpu.memref_slice %arg8[%mul3A_6] : memref<57344xf32, #tpu.memory_space<hbm>> -> memref<896xf32, #tpu.memory_space<hbm>>
      %dma_start3A_89 = tpu.memref_slice %arg8[%mul3A_6] : memref<57344xf32, #tpu.memory_space<hbm>> -> memref<896xf32, #tpu.memory_space<hbm>>
      tpu.enqueue_dma source(%dma_start3A_89 : memref<896xf32, #tpu.memory_space<hbm>>) target(%arg17 : memref<896xf32, #tpu.memory_space<vmem>>) target_semaphore(%run_scoped3A : memref<!tpu.dma_semaphore, #tpu.memory_space<semaphore_mem>>)
      %dma_wait3A_90 = tpu.memref_slice %arg8[%mul3A_6] : memref<57344xf32, #tpu.memory_space<hbm>> -> memref<896xf32, #tpu.memory_space<hbm>>
      %dma_wait3A_91 = tpu.memref_slice %arg8[%mul3A_6] : memref<57344xf32, #tpu.memory_space<hbm>> -> memref<896xf32, #tpu.memory_space<hbm>>
      tpu.wait_dma2 semaphore(%run_scoped3A : memref<!tpu.dma_semaphore, #tpu.memory_space<semaphore_mem>>) src(%dma_wait3A_91 : memref<896xf32, #tpu.memory_space<hbm>>) dst(%arg17 : memref<896xf32, #tpu.memory_space<vmem>>)
      tpu.yield
    }) : () -> ()
    "tpu.region"() ({
      %run_scoped3A = tpu.sem_alloc : memref<!tpu.dma_semaphore, #tpu.memory_space<semaphore_mem>>
      %dma_start3A = tpu.memref_slice %arg9[%mul3A_6] : memref<57344xf32, #tpu.memory_space<hbm>> -> memref<896xf32, #tpu.memory_space<hbm>>
      %dma_start3A_89 = tpu.memref_slice %arg9[%mul3A_6] : memref<57344xf32, #tpu.memory_space<hbm>> -> memref<896xf32, #tpu.memory_space<hbm>>
      tpu.enqueue_dma source(%dma_start3A_89 : memref<896xf32, #tpu.memory_space<hbm>>) target(%arg18 : memref<896xf32, #tpu.memory_space<vmem>>) target_semaphore(%run_scoped3A : memref<!tpu.dma_semaphore, #tpu.memory_space<semaphore_mem>>)
      %dma_wait3A_90 = tpu.memref_slice %arg9[%mul3A_6] : memref<57344xf32, #tpu.memory_space<hbm>> -> memref<896xf32, #tpu.memory_space<hbm>>
      %dma_wait3A_91 = tpu.memref_slice %arg9[%mul3A_6] : memref<57344xf32, #tpu.memory_space<hbm>> -> memref<896xf32, #tpu.memory_space<hbm>>
      tpu.wait_dma2 semaphore(%run_scoped3A : memref<!tpu.dma_semaphore, #tpu.memory_space<semaphore_mem>>) src(%dma_wait3A_91 : memref<896xf32, #tpu.memory_space<hbm>>) dst(%arg18 : memref<896xf32, #tpu.memory_space<vmem>>)
      tpu.yield
    }) : () -> ()
    %scan3A = arith.constant 0 : i32
    %scan3A_7 = arith.constant 32 : i32
    %scan3A_8 = arith.addi %scan3A, %scan3A_7 : i32
    %scan3A_9 = arith.constant 1 : i32
    scf.for %scan3A_89 = %scan3A to %scan3A_8 step %scan3A_9  : i32 {
      %mul3A_90 = arith.constant 8 : i32
      %mul3A_91 = arith.muli %scan3A_89, %mul3A_90 : i32
      %rem3A = arith.constant 2 : i32
      %rem3A_92 = arith.remsi %scan3A_89, %rem3A : i32
      %mul3A_93 = arith.constant 288 : i32
      %mul3A_94 = arith.muli %mul3A_91, %mul3A_93 : i32
      %broadcast_in_dim3A = vector.broadcast %mul3A_94 : i32 to vector<16xi32>
      %iota3A = tpu.iota {dimensions = array<i32: 0>} : vector<16xi32>
      %mul3A_95 = arith.constant 16 : i32
      %mul3A_96 = arith.muli %mul3A_91, %mul3A_95 : i32
      %add3A_97 = vector.broadcast %mul3A_96 : i32 to vector<16xi32>
      %add3A_98 = arith.addi %iota3A, %add3A_97 : vector<16xi32>
      %add3A_99 = arith.constant 0 : i32
      %add3A_100 = vector.broadcast %add3A_99 : i32 to vector<16xi32>
      %add3A_101 = arith.addi %add3A_98, %add3A_100 : vector<16xi32>
      %gather3A = tpu.vector_load_idx %arg13[%add3A_101] : memref<4096xf32, #tpu.memory_space<vmem>>[vector<16xi32>], vector<16xf32>,
      %gather3A_102 = tpu.vector_load_idx %arg14[%add3A_101] : memref<4096xf32, #tpu.memory_space<vmem>>[vector<16xi32>], vector<16xf32>,
      %add3A_103 = arith.constant 16 : i32
      %add3A_104 = vector.broadcast %add3A_103 : i32 to vector<16xi32>
      %add3A_105 = arith.addi %add3A_98, %add3A_104 : vector<16xi32>
      %gather3A_106 = tpu.vector_load_idx %arg13[%add3A_105] : memref<4096xf32, #tpu.memory_space<vmem>>[vector<16xi32>], vector<16xf32>,
      %gather3A_107 = tpu.vector_load_idx %arg14[%add3A_105] : memref<4096xf32, #tpu.memory_space<vmem>>[vector<16xi32>], vector<16xf32>,
      %add3A_108 = arith.constant 32 : i32
      %add3A_109 = vector.broadcast %add3A_108 : i32 to vector<16xi32>
      %add3A_110 = arith.addi %add3A_98, %add3A_109 : vector<16xi32>
      %gather3A_111 = tpu.vector_load_idx %arg13[%add3A_110] : memref<4096xf32, #tpu.memory_space<vmem>>[vector<16xi32>], vector<16xf32>,
      %gather3A_112 = tpu.vector_load_idx %arg14[%add3A_110] : memref<4096xf32, #tpu.memory_space<vmem>>[vector<16xi32>], vector<16xf32>,
      %add3A_113 = arith.constant 48 : i32
      %add3A_114 = vector.broadcast %add3A_113 : i32 to vector<16xi32>
      %add3A_115 = arith.addi %add3A_98, %add3A_114 : vector<16xi32>
      %gather3A_116 = tpu.vector_load_idx %arg13[%add3A_115] : memref<4096xf32, #tpu.memory_space<vmem>>[vector<16xi32>], vector<16xf32>,
      %gather3A_117 = tpu.vector_load_idx %arg14[%add3A_115] : memref<4096xf32, #tpu.memory_space<vmem>>[vector<16xi32>], vector<16xf32>,
      %add3A_118 = arith.constant 64 : i32
      %add3A_119 = vector.broadcast %add3A_118 : i32 to vector<16xi32>
      %add3A_120 = arith.addi %add3A_98, %add3A_119 : vector<16xi32>
      %gather3A_121 = tpu.vector_load_idx %arg13[%add3A_120] : memref<4096xf32, #tpu.memory_space<vmem>>[vector<16xi32>], vector<16xf32>,
      %gather3A_122 = tpu.vector_load_idx %arg14[%add3A_120] : memref<4096xf32, #tpu.memory_space<vmem>>[vector<16xi32>], vector<16xf32>,
      %add3A_123 = arith.constant 80 : i32
      %add3A_124 = vector.broadcast %add3A_123 : i32 to vector<16xi32>
      %add3A_125 = arith.addi %add3A_98, %add3A_124 : vector<16xi32>
      %gather3A_126 = tpu.vector_load_idx %arg13[%add3A_125] : memref<4096xf32, #tpu.memory_space<vmem>>[vector<16xi32>], vector<16xf32>,
      %gather3A_127 = tpu.vector_load_idx %arg14[%add3A_125] : memref<4096xf32, #tpu.memory_space<vmem>>[vector<16xi32>], vector<16xf32>,
      %add3A_128 = arith.constant 96 : i32
      %add3A_129 = vector.broadcast %add3A_128 : i32 to vector<16xi32>
      %add3A_130 = arith.addi %add3A_98, %add3A_129 : vector<16xi32>
      %gather3A_131 = tpu.vector_load_idx %arg13[%add3A_130] : memref<4096xf32, #tpu.memory_space<vmem>>[vector<16xi32>], vector<16xf32>,
      %gather3A_132 = tpu.vector_load_idx %arg14[%add3A_130] : memref<4096xf32, #tpu.memory_space<vmem>>[vector<16xi32>], vector<16xf32>,
      %add3A_133 = arith.constant 112 : i32
      %add3A_134 = vector.broadcast %add3A_133 : i32 to vector<16xi32>
      %add3A_135 = arith.addi %add3A_98, %add3A_134 : vector<16xi32>
      %gather3A_136 = tpu.vector_load_idx %arg13[%add3A_135] : memref<4096xf32, #tpu.memory_space<vmem>>[vector<16xi32>], vector<16xf32>,
      %gather3A_137 = tpu.vector_load_idx %arg14[%add3A_135] : memref<4096xf32, #tpu.memory_space<vmem>>[vector<16xi32>], vector<16xf32>,
      %ge3A = arith.constant 2 : i32
      %ge3A_138 = arith.cmpi sge, %scan3A_89, %ge3A : i32
      %convert_element_type3A = arith.extui %ge3A_138 : i1 to i32
      %cond3A = arith.constant 0 : i32
      %cond3A_139 = arith.cmpi ne, %convert_element_type3A, %cond3A : i32
      scf.if %cond3A_139 {
        %dma_wait3A_307 = arith.constant 0 : i32
        %dma_wait3A_308 = arith.constant 0 : i32
        %dma_wait3A_309 = tpu.memref_slice %arg19[%rem3A_92, %dma_wait3A_307, %dma_wait3A_308] : memref<2x8x883xf32, #tpu.memory_space<vmem>> -> memref<1x8x883xf32, #tpu.memory_space<vmem>>
        %dma_wait3A_310 = tpu.memref_squeeze %dma_wait3A_309 : memref<1x8x883xf32, #tpu.memory_space<vmem>> -> memref<8x883xf32, #tpu.memory_space<vmem>>
        %dma_wait3A_311 = arith.constant 0 : i32
        %dma_wait3A_312 = tpu.memref_slice %arg10[%add3A_4, %mul3A_91, %dma_wait3A_311] : memref<64x256x883xf32, #tpu.memory_space<hbm>> -> memref<1x8x883xf32, #tpu.memory_space<hbm>>
        %dma_wait3A_313 = tpu.memref_squeeze %dma_wait3A_312 : memref<1x8x883xf32, #tpu.memory_space<hbm>> -> memref<8x883xf32, #tpu.memory_space<hbm>>
        %dma_wait3A_314 = arith.constant 0 : i32
        %dma_wait3A_315 = tpu.memref_slice %arg10[%add3A_4, %mul3A_91, %dma_wait3A_314] : memref<64x256x883xf32, #tpu.memory_space<hbm>> -> memref<1x8x883xf32, #tpu.memory_space<hbm>>
        %dma_wait3A_316 = tpu.memref_squeeze %dma_wait3A_315 : memref<1x8x883xf32, #tpu.memory_space<hbm>> -> memref<8x883xf32, #tpu.memory_space<hbm>>
        %dma_wait3A_317 = arith.constant 0 : i32
        %dma_wait3A_318 = arith.constant 0 : i32
        %dma_wait3A_319 = tpu.memref_slice %arg19[%rem3A_92, %dma_wait3A_317, %dma_wait3A_318] : memref<2x8x883xf32, #tpu.memory_space<vmem>> -> memref<1x8x883xf32, #tpu.memory_space<vmem>>
        %dma_wait3A_320 = tpu.memref_squeeze %dma_wait3A_319 : memref<1x8x883xf32, #tpu.memory_space<vmem>> -> memref<8x883xf32, #tpu.memory_space<vmem>>
        tpu.wait_dma2 semaphore(%arg20 : memref<!tpu.dma_semaphore, #tpu.memory_space<semaphore_mem>>) src(%dma_wait3A_320 : memref<8x883xf32, #tpu.memory_space<vmem>>) dst(%dma_wait3A_316 : memref<8x883xf32, #tpu.memory_space<hbm>>)
      } else {
      }
      %parallel_loop3A = arith.constant 0 : i32
      %parallel_loop3A_140 = arith.constant 55 : i32
      %parallel_loop3A_141 = arith.constant 1 : i32
      scf.for %parallel_loop3A_307 = %parallel_loop3A to %parallel_loop3A_140 step %parallel_loop3A_141  : i32 {
        %parallel_loop3A_308 = arith.constant 16 : i32
        %parallel_loop3A_309 = arith.muli %parallel_loop3A_307, %parallel_loop3A_308 : i32
        %parallel_loop3A_310 = arith.index_cast %parallel_loop3A_309 : i32 to index
        %parallel_loop3A_311 = tpu.vector_load %arg15[%parallel_loop3A_310] {strides = array<i32>} : memref<896xi32, #tpu.memory_space<vmem>>, vector<16xi32>,
        %parallel_loop3A_312 = arith.index_cast %parallel_loop3A_309 : i32 to index
        %parallel_loop3A_313 = tpu.vector_load %arg16[%parallel_loop3A_312] {strides = array<i32>} : memref<896xi32, #tpu.memory_space<vmem>>, vector<16xi32>,
        %parallel_loop3A_314 = arith.index_cast %parallel_loop3A_309 : i32 to index
        %parallel_loop3A_315 = tpu.vector_load %arg17[%parallel_loop3A_314] {strides = array<i32>} : memref<896xf32, #tpu.memory_space<vmem>>, vector<16xf32>,
        %parallel_loop3A_316 = arith.index_cast %parallel_loop3A_309 : i32 to index
        %parallel_loop3A_317 = tpu.vector_load %arg18[%parallel_loop3A_316] {strides = array<i32>} : memref<896xf32, #tpu.memory_space<vmem>>, vector<16xf32>,
        %parallel_loop3A_318 = arith.addi %parallel_loop3A_311, %broadcast_in_dim3A : vector<16xi32>
        %parallel_loop3A_319 = arith.addi %parallel_loop3A_313, %add3A_98 : vector<16xi32>
        %parallel_loop3A_320 = arith.constant 0 : i32
        %parallel_loop3A_321 = vector.broadcast %parallel_loop3A_320 : i32 to vector<16xi32>
        %parallel_loop3A_322 = arith.addi %parallel_loop3A_318, %parallel_loop3A_321 : vector<16xi32>
        %parallel_loop3A_323 = tpu.vector_load_idx %arg11[%parallel_loop3A_322] : memref<73728xf32, #tpu.memory_space<vmem>>[vector<16xi32>], vector<16xf32>,
        %parallel_loop3A_324 = arith.constant 288 : i32
        %parallel_loop3A_325 = vector.broadcast %parallel_loop3A_324 : i32 to vector<16xi32>
        %parallel_loop3A_326 = arith.addi %parallel_loop3A_318, %parallel_loop3A_325 : vector<16xi32>
        %parallel_loop3A_327 = tpu.vector_load_idx %arg11[%parallel_loop3A_326] : memref<73728xf32, #tpu.memory_space<vmem>>[vector<16xi32>], vector<16xf32>,
        %parallel_loop3A_328 = arith.constant 576 : i32
        %parallel_loop3A_329 = vector.broadcast %parallel_loop3A_328 : i32 to vector<16xi32>
        %parallel_loop3A_330 = arith.addi %parallel_loop3A_318, %parallel_loop3A_329 : vector<16xi32>
        %parallel_loop3A_331 = tpu.vector_load_idx %arg11[%parallel_loop3A_330] : memref<73728xf32, #tpu.memory_space<vmem>>[vector<16xi32>], vector<16xf32>,
        %parallel_loop3A_332 = arith.constant 864 : i32
        %parallel_loop3A_333 = vector.broadcast %parallel_loop3A_332 : i32 to vector<16xi32>
        %parallel_loop3A_334 = arith.addi %parallel_loop3A_318, %parallel_loop3A_333 : vector<16xi32>
        %parallel_loop3A_335 = tpu.vector_load_idx %arg11[%parallel_loop3A_334] : memref<73728xf32, #tpu.memory_space<vmem>>[vector<16xi32>], vector<16xf32>,
        %parallel_loop3A_336 = arith.constant 0 : i32
        %parallel_loop3A_337 = vector.broadcast %parallel_loop3A_336 : i32 to vector<16xi32>
        %parallel_loop3A_338 = arith.addi %parallel_loop3A_319, %parallel_loop3A_337 : vector<16xi32>
        %parallel_loop3A_339 = tpu.vector_load_idx %arg12[%parallel_loop3A_338] : memref<28672xf32, #tpu.memory_space<vmem>>[vector<16xi32>], vector<16xf32>,
        %parallel_loop3A_340 = arith.constant 16 : i32
        %parallel_loop3A_341 = vector.broadcast %parallel_loop3A_340 : i32 to vector<16xi32>
        %parallel_loop3A_342 = arith.addi %parallel_loop3A_319, %parallel_loop3A_341 : vector<16xi32>
        %parallel_loop3A_343 = tpu.vector_load_idx %arg12[%parallel_loop3A_342] : memref<28672xf32, #tpu.memory_space<vmem>>[vector<16xi32>], vector<16xf32>,
        %parallel_loop3A_344 = arith.constant 32 : i32
        %parallel_loop3A_345 = vector.broadcast %parallel_loop3A_344 : i32 to vector<16xi32>
        %parallel_loop3A_346 = arith.addi %parallel_loop3A_319, %parallel_loop3A_345 : vector<16xi32>
        %parallel_loop3A_347 = tpu.vector_load_idx %arg12[%parallel_loop3A_346] : memref<28672xf32, #tpu.memory_space<vmem>>[vector<16xi32>], vector<16xf32>,
        %parallel_loop3A_348 = arith.constant 48 : i32
        %parallel_loop3A_349 = vector.broadcast %parallel_loop3A_348 : i32 to vector<16xi32>
        %parallel_loop3A_350 = arith.addi %parallel_loop3A_319, %parallel_loop3A_349 : vector<16xi32>
        %parallel_loop3A_351 = tpu.vector_load_idx %arg12[%parallel_loop3A_350] : memref<28672xf32, #tpu.memory_space<vmem>>[vector<16xi32>], vector<16xf32>,
        %parallel_loop3A_352 = arith.addf %parallel_loop3A_323, %parallel_loop3A_339 : vector<16xf32>
        %parallel_loop3A_353 = arith.mulf %parallel_loop3A_315, %gather3A : vector<16xf32>
        %parallel_loop3A_354 = arith.mulf %parallel_loop3A_317, %gather3A_102 : vector<16xf32>
        %parallel_loop3A_355 = arith.addf %parallel_loop3A_353, %parallel_loop3A_354 : vector<16xf32>
        %parallel_loop3A_356 = arith.addf %parallel_loop3A_352, %parallel_loop3A_355 : vector<16xf32>
        %parallel_loop3A_357 = arith.constant 0 : i32
        %parallel_loop3A_358 = arith.index_cast %rem3A_92 : i32 to index
        %parallel_loop3A_359 = arith.index_cast %parallel_loop3A_357 : i32 to index
        %parallel_loop3A_360 = arith.index_cast %parallel_loop3A_309 : i32 to index
        %parallel_loop3A_361 = tpu.vector_load %arg19[%parallel_loop3A_358, %parallel_loop3A_359, %parallel_loop3A_360] {strides = array<i32>} : memref<2x8x883xf32, #tpu.memory_space<vmem>>, vector<16xf32>,
        tpu.vector_store %arg19[%parallel_loop3A_358, %parallel_loop3A_359, %parallel_loop3A_360], %parallel_loop3A_356 {strides = array<i32>} : memref<2x8x883xf32, #tpu.memory_space<vmem>>, vector<16xf32>,
        %parallel_loop3A_362 = arith.addf %parallel_loop3A_327, %parallel_loop3A_343 : vector<16xf32>
        %parallel_loop3A_363 = arith.mulf %parallel_loop3A_315, %gather3A_106 : vector<16xf32>
        %parallel_loop3A_364 = arith.mulf %parallel_loop3A_317, %gather3A_107 : vector<16xf32>
        %parallel_loop3A_365 = arith.addf %parallel_loop3A_363, %parallel_loop3A_364 : vector<16xf32>
        %parallel_loop3A_366 = arith.addf %parallel_loop3A_362, %parallel_loop3A_365 : vector<16xf32>
        %parallel_loop3A_367 = arith.constant 1 : i32
        %parallel_loop3A_368 = arith.index_cast %rem3A_92 : i32 to index
        %parallel_loop3A_369 = arith.index_cast %parallel_loop3A_367 : i32 to index
        %parallel_loop3A_370 = arith.index_cast %parallel_loop3A_309 : i32 to index
        %parallel_loop3A_371 = tpu.vector_load %arg19[%parallel_loop3A_368, %parallel_loop3A_369, %parallel_loop3A_370] {strides = array<i32>} : memref<2x8x883xf32, #tpu.memory_space<vmem>>, vector<16xf32>,
        tpu.vector_store %arg19[%parallel_loop3A_368, %parallel_loop3A_369, %parallel_loop3A_370], %parallel_loop3A_366 {strides = array<i32>} : memref<2x8x883xf32, #tpu.memory_space<vmem>>, vector<16xf32>,
        %parallel_loop3A_372 = arith.addf %parallel_loop3A_331, %parallel_loop3A_347 : vector<16xf32>
        %parallel_loop3A_373 = arith.mulf %parallel_loop3A_315, %gather3A_111 : vector<16xf32>
        %parallel_loop3A_374 = arith.mulf %parallel_loop3A_317, %gather3A_112 : vector<16xf32>
        %parallel_loop3A_375 = arith.addf %parallel_loop3A_373, %parallel_loop3A_374 : vector<16xf32>
        %parallel_loop3A_376 = arith.addf %parallel_loop3A_372, %parallel_loop3A_375 : vector<16xf32>
        %parallel_loop3A_377 = arith.constant 2 : i32
        %parallel_loop3A_378 = arith.index_cast %rem3A_92 : i32 to index
        %parallel_loop3A_379 = arith.index_cast %parallel_loop3A_377 : i32 to index
        %parallel_loop3A_380 = arith.index_cast %parallel_loop3A_309 : i32 to index
        %parallel_loop3A_381 = tpu.vector_load %arg19[%parallel_loop3A_378, %parallel_loop3A_379, %parallel_loop3A_380] {strides = array<i32>} : memref<2x8x883xf32, #tpu.memory_space<vmem>>, vector<16xf32>,
        tpu.vector_store %arg19[%parallel_loop3A_378, %parallel_loop3A_379, %parallel_loop3A_380], %parallel_loop3A_376 {strides = array<i32>} : memref<2x8x883xf32, #tpu.memory_space<vmem>>, vector<16xf32>,
        %parallel_loop3A_382 = arith.addf %parallel_loop3A_335, %parallel_loop3A_351 : vector<16xf32>
        %parallel_loop3A_383 = arith.mulf %parallel_loop3A_315, %gather3A_116 : vector<16xf32>
        %parallel_loop3A_384 = arith.mulf %parallel_loop3A_317, %gather3A_117 : vector<16xf32>
        %parallel_loop3A_385 = arith.addf %parallel_loop3A_383, %parallel_loop3A_384 : vector<16xf32>
        %parallel_loop3A_386 = arith.addf %parallel_loop3A_382, %parallel_loop3A_385 : vector<16xf32>
        %parallel_loop3A_387 = arith.constant 3 : i32
        %parallel_loop3A_388 = arith.index_cast %rem3A_92 : i32 to index
        %parallel_loop3A_389 = arith.index_cast %parallel_loop3A_387 : i32 to index
        %parallel_loop3A_390 = arith.index_cast %parallel_loop3A_309 : i32 to index
        %parallel_loop3A_391 = tpu.vector_load %arg19[%parallel_loop3A_388, %parallel_loop3A_389, %parallel_loop3A_390] {strides = array<i32>} : memref<2x8x883xf32, #tpu.memory_space<vmem>>, vector<16xf32>,
        tpu.vector_store %arg19[%parallel_loop3A_388, %parallel_loop3A_389, %parallel_loop3A_390], %parallel_loop3A_386 {strides = array<i32>} : memref<2x8x883xf32, #tpu.memory_space<vmem>>, vector<16xf32>,
        %parallel_loop3A_392 = arith.constant 1152 : i32
        %parallel_loop3A_393 = vector.broadcast %parallel_loop3A_392 : i32 to vector<16xi32>
        %parallel_loop3A_394 = arith.addi %parallel_loop3A_318, %parallel_loop3A_393 : vector<16xi32>
        %parallel_loop3A_395 = tpu.vector_load_idx %arg11[%parallel_loop3A_394] : memref<73728xf32, #tpu.memory_space<vmem>>[vector<16xi32>], vector<16xf32>,
        %parallel_loop3A_396 = arith.constant 1440 : i32
        %parallel_loop3A_397 = vector.broadcast %parallel_loop3A_396 : i32 to vector<16xi32>
        %parallel_loop3A_398 = arith.addi %parallel_loop3A_318, %parallel_loop3A_397 : vector<16xi32>
        %parallel_loop3A_399 = tpu.vector_load_idx %arg11[%parallel_loop3A_398] : memref<73728xf32, #tpu.memory_space<vmem>>[vector<16xi32>], vector<16xf32>,
        %parallel_loop3A_400 = arith.constant 1728 : i32
        %parallel_loop3A_401 = vector.broadcast %parallel_loop3A_400 : i32 to vector<16xi32>
        %parallel_loop3A_402 = arith.addi %parallel_loop3A_318, %parallel_loop3A_401 : vector<16xi32>
        %parallel_loop3A_403 = tpu.vector_load_idx %arg11[%parallel_loop3A_402] : memref<73728xf32, #tpu.memory_space<vmem>>[vector<16xi32>], vector<16xf32>,
        %parallel_loop3A_404 = arith.constant 2016 : i32
        %parallel_loop3A_405 = vector.broadcast %parallel_loop3A_404 : i32 to vector<16xi32>
        %parallel_loop3A_406 = arith.addi %parallel_loop3A_318, %parallel_loop3A_405 : vector<16xi32>
        %parallel_loop3A_407 = tpu.vector_load_idx %arg11[%parallel_loop3A_406] : memref<73728xf32, #tpu.memory_space<vmem>>[vector<16xi32>], vector<16xf32>,
        %parallel_loop3A_408 = arith.constant 64 : i32
        %parallel_loop3A_409 = vector.broadcast %parallel_loop3A_408 : i32 to vector<16xi32>
        %parallel_loop3A_410 = arith.addi %parallel_loop3A_319, %parallel_loop3A_409 : vector<16xi32>
        %parallel_loop3A_411 = tpu.vector_load_idx %arg12[%parallel_loop3A_410] : memref<28672xf32, #tpu.memory_space<vmem>>[vector<16xi32>], vector<16xf32>,
        %parallel_loop3A_412 = arith.constant 80 : i32
        %parallel_loop3A_413 = vector.broadcast %parallel_loop3A_412 : i32 to vector<16xi32>
        %parallel_loop3A_414 = arith.addi %parallel_loop3A_319, %parallel_loop3A_413 : vector<16xi32>
        %parallel_loop3A_415 = tpu.vector_load_idx %arg12[%parallel_loop3A_414] : memref<28672xf32, #tpu.memory_space<vmem>>[vector<16xi32>], vector<16xf32>,
        %parallel_loop3A_416 = arith.constant 96 : i32
        %parallel_loop3A_417 = vector.broadcast %parallel_loop3A_416 : i32 to vector<16xi32>
        %parallel_loop3A_418 = arith.addi %parallel_loop3A_319, %parallel_loop3A_417 : vector<16xi32>
        %parallel_loop3A_419 = tpu.vector_load_idx %arg12[%parallel_loop3A_418] : memref<28672xf32, #tpu.memory_space<vmem>>[vector<16xi32>], vector<16xf32>,
        %parallel_loop3A_420 = arith.constant 112 : i32
        %parallel_loop3A_421 = vector.broadcast %parallel_loop3A_420 : i32 to vector<16xi32>
        %parallel_loop3A_422 = arith.addi %parallel_loop3A_319, %parallel_loop3A_421 : vector<16xi32>
        %parallel_loop3A_423 = tpu.vector_load_idx %arg12[%parallel_loop3A_422] : memref<28672xf32, #tpu.memory_space<vmem>>[vector<16xi32>], vector<16xf32>,
        %parallel_loop3A_424 = arith.addf %parallel_loop3A_395, %parallel_loop3A_411 : vector<16xf32>
        %parallel_loop3A_425 = arith.mulf %parallel_loop3A_315, %gather3A_121 : vector<16xf32>
        %parallel_loop3A_426 = arith.mulf %parallel_loop3A_317, %gather3A_122 : vector<16xf32>
        %parallel_loop3A_427 = arith.addf %parallel_loop3A_425, %parallel_loop3A_426 : vector<16xf32>
        %parallel_loop3A_428 = arith.addf %parallel_loop3A_424, %parallel_loop3A_427 : vector<16xf32>
        %parallel_loop3A_429 = arith.constant 4 : i32
        %parallel_loop3A_430 = arith.index_cast %rem3A_92 : i32 to index
        %parallel_loop3A_431 = arith.index_cast %parallel_loop3A_429 : i32 to index
        %parallel_loop3A_432 = arith.index_cast %parallel_loop3A_309 : i32 to index
        %parallel_loop3A_433 = tpu.vector_load %arg19[%parallel_loop3A_430, %parallel_loop3A_431, %parallel_loop3A_432] {strides = array<i32>} : memref<2x8x883xf32, #tpu.memory_space<vmem>>, vector<16xf32>,
        tpu.vector_store %arg19[%parallel_loop3A_430, %parallel_loop3A_431, %parallel_loop3A_432], %parallel_loop3A_428 {strides = array<i32>} : memref<2x8x883xf32, #tpu.memory_space<vmem>>, vector<16xf32>,
        %parallel_loop3A_434 = arith.addf %parallel_loop3A_399, %parallel_loop3A_415 : vector<16xf32>
        %parallel_loop3A_435 = arith.mulf %parallel_loop3A_315, %gather3A_126 : vector<16xf32>
        %parallel_loop3A_436 = arith.mulf %parallel_loop3A_317, %gather3A_127 : vector<16xf32>
        %parallel_loop3A_437 = arith.addf %parallel_loop3A_435, %parallel_loop3A_436 : vector<16xf32>
        %parallel_loop3A_438 = arith.addf %parallel_loop3A_434, %parallel_loop3A_437 : vector<16xf32>
        %parallel_loop3A_439 = arith.constant 5 : i32
        %parallel_loop3A_440 = arith.index_cast %rem3A_92 : i32 to index
        %parallel_loop3A_441 = arith.index_cast %parallel_loop3A_439 : i32 to index
        %parallel_loop3A_442 = arith.index_cast %parallel_loop3A_309 : i32 to index
        %parallel_loop3A_443 = tpu.vector_load %arg19[%parallel_loop3A_440, %parallel_loop3A_441, %parallel_loop3A_442] {strides = array<i32>} : memref<2x8x883xf32, #tpu.memory_space<vmem>>, vector<16xf32>,
        tpu.vector_store %arg19[%parallel_loop3A_440, %parallel_loop3A_441, %parallel_loop3A_442], %parallel_loop3A_438 {strides = array<i32>} : memref<2x8x883xf32, #tpu.memory_space<vmem>>, vector<16xf32>,
        %parallel_loop3A_444 = arith.addf %parallel_loop3A_403, %parallel_loop3A_419 : vector<16xf32>
        %parallel_loop3A_445 = arith.mulf %parallel_loop3A_315, %gather3A_131 : vector<16xf32>
        %parallel_loop3A_446 = arith.mulf %parallel_loop3A_317, %gather3A_132 : vector<16xf32>
        %parallel_loop3A_447 = arith.addf %parallel_loop3A_445, %parallel_loop3A_446 : vector<16xf32>
        %parallel_loop3A_448 = arith.addf %parallel_loop3A_444, %parallel_loop3A_447 : vector<16xf32>
        %parallel_loop3A_449 = arith.constant 6 : i32
        %parallel_loop3A_450 = arith.index_cast %rem3A_92 : i32 to index
        %parallel_loop3A_451 = arith.index_cast %parallel_loop3A_449 : i32 to index
        %parallel_loop3A_452 = arith.index_cast %parallel_loop3A_309 : i32 to index
        %parallel_loop3A_453 = tpu.vector_load %arg19[%parallel_loop3A_450, %parallel_loop3A_451, %parallel_loop3A_452] {strides = array<i32>} : memref<2x8x883xf32, #tpu.memory_space<vmem>>, vector<16xf32>,
        tpu.vector_store %arg19[%parallel_loop3A_450, %parallel_loop3A_451, %parallel_loop3A_452], %parallel_loop3A_448 {strides = array<i32>} : memref<2x8x883xf32, #tpu.memory_space<vmem>>, vector<16xf32>,
        %parallel_loop3A_454 = arith.addf %parallel_loop3A_407, %parallel_loop3A_423 : vector<16xf32>
        %parallel_loop3A_455 = arith.mulf %parallel_loop3A_315, %gather3A_136 : vector<16xf32>
        %parallel_loop3A_456 = arith.mulf %parallel_loop3A_317, %gather3A_137 : vector<16xf32>
        %parallel_loop3A_457 = arith.addf %parallel_loop3A_455, %parallel_loop3A_456 : vector<16xf32>
        %parallel_loop3A_458 = arith.addf %parallel_loop3A_454, %parallel_loop3A_457 : vector<16xf32>
        %parallel_loop3A_459 = arith.constant 7 : i32
        %parallel_loop3A_460 = arith.index_cast %rem3A_92 : i32 to index
        %parallel_loop3A_461 = arith.index_cast %parallel_loop3A_459 : i32 to index
        %parallel_loop3A_462 = arith.index_cast %parallel_loop3A_309 : i32 to index
        %parallel_loop3A_463 = tpu.vector_load %arg19[%parallel_loop3A_460, %parallel_loop3A_461, %parallel_loop3A_462] {strides = array<i32>} : memref<2x8x883xf32, #tpu.memory_space<vmem>>, vector<16xf32>,
        tpu.vector_store %arg19[%parallel_loop3A_460, %parallel_loop3A_461, %parallel_loop3A_462], %parallel_loop3A_458 {strides = array<i32>} : memref<2x8x883xf32, #tpu.memory_space<vmem>>, vector<16xf32>,
      } {sc.loop_unroll_factor = 1 : i64, sc.parallel_access}
      %get3A = arith.constant 867 : index
      %get3A_142 = tpu.vector_load %arg15[%get3A] {strides = array<i32>} : memref<896xi32, #tpu.memory_space<vmem>>, vector<16xi32>,
      %get3A_143 = arith.constant 867 : index
      %get3A_144 = tpu.vector_load %arg16[%get3A_143] {strides = array<i32>} : memref<896xi32, #tpu.memory_space<vmem>>, vector<16xi32>,
      %get3A_145 = arith.constant 867 : index
      %get3A_146 = tpu.vector_load %arg17[%get3A_145] {strides = array<i32>} : memref<896xf32, #tpu.memory_space<vmem>>, vector<16xf32>,
      %get3A_147 = arith.constant 867 : index
      %get3A_148 = tpu.vector_load %arg18[%get3A_147] {strides = array<i32>} : memref<896xf32, #tpu.memory_space<vmem>>, vector<16xf32>,
      %add3A_149 = arith.addi %get3A_142, %broadcast_in_dim3A : vector<16xi32>
      %add3A_150 = arith.addi %get3A_144, %add3A_98 : vector<16xi32>
      %add3A_151 = arith.constant 0 : i32
      %add3A_152 = vector.broadcast %add3A_151 : i32 to vector<16xi32>
      %add3A_153 = arith.addi %add3A_149, %add3A_152 : vector<16xi32>
      %gather3A_154 = tpu.vector_load_idx %arg11[%add3A_153] : memref<73728xf32, #tpu.memory_space<vmem>>[vector<16xi32>], vector<16xf32>,
      %add3A_155 = arith.constant 288 : i32
      %add3A_156 = vector.broadcast %add3A_155 : i32 to vector<16xi32>
      %add3A_157 = arith.addi %add3A_149, %add3A_156 : vector<16xi32>
      %gather3A_158 = tpu.vector_load_idx %arg11[%add3A_157] : memref<73728xf32, #tpu.memory_space<vmem>>[vector<16xi32>], vector<16xf32>,
      %add3A_159 = arith.constant 576 : i32
      %add3A_160 = vector.broadcast %add3A_159 : i32 to vector<16xi32>
      %add3A_161 = arith.addi %add3A_149, %add3A_160 : vector<16xi32>
      %gather3A_162 = tpu.vector_load_idx %arg11[%add3A_161] : memref<73728xf32, #tpu.memory_space<vmem>>[vector<16xi32>], vector<16xf32>,
      %add3A_163 = arith.constant 864 : i32
      %add3A_164 = vector.broadcast %add3A_163 : i32 to vector<16xi32>
      %add3A_165 = arith.addi %add3A_149, %add3A_164 : vector<16xi32>
      %gather3A_166 = tpu.vector_load_idx %arg11[%add3A_165] : memref<73728xf32, #tpu.memory_space<vmem>>[vector<16xi32>], vector<16xf32>,
      %add3A_167 = arith.constant 0 : i32
      %add3A_168 = vector.broadcast %add3A_167 : i32 to vector<16xi32>
      %add3A_169 = arith.addi %add3A_150, %add3A_168 : vector<16xi32>
      %gather3A_170 = tpu.vector_load_idx %arg12[%add3A_169] : memref<28672xf32, #tpu.memory_space<vmem>>[vector<16xi32>], vector<16xf32>,
      %add3A_171 = arith.constant 16 : i32
      %add3A_172 = vector.broadcast %add3A_171 : i32 to vector<16xi32>
      %add3A_173 = arith.addi %add3A_150, %add3A_172 : vector<16xi32>
      %gather3A_174 = tpu.vector_load_idx %arg12[%add3A_173] : memref<28672xf32, #tpu.memory_space<vmem>>[vector<16xi32>], vector<16xf32>,
      %add3A_175 = arith.constant 32 : i32
      %add3A_176 = vector.broadcast %add3A_175 : i32 to vector<16xi32>
      %add3A_177 = arith.addi %add3A_150, %add3A_176 : vector<16xi32>
      %gather3A_178 = tpu.vector_load_idx %arg12[%add3A_177] : memref<28672xf32, #tpu.memory_space<vmem>>[vector<16xi32>], vector<16xf32>,
      %add3A_179 = arith.constant 48 : i32
      %add3A_180 = vector.broadcast %add3A_179 : i32 to vector<16xi32>
      %add3A_181 = arith.addi %add3A_150, %add3A_180 : vector<16xi32>
      %gather3A_182 = tpu.vector_load_idx %arg12[%add3A_181] : memref<28672xf32, #tpu.memory_space<vmem>>[vector<16xi32>], vector<16xf32>,
      %add3A_183 = arith.addf %gather3A_154, %gather3A_170 : vector<16xf32>
      %mul3A_184 = arith.mulf %get3A_146, %gather3A : vector<16xf32>
      %mul3A_185 = arith.mulf %get3A_148, %gather3A_102 : vector<16xf32>
      %add3A_186 = arith.addf %mul3A_184, %mul3A_185 : vector<16xf32>
      %add3A_187 = arith.addf %add3A_183, %add3A_186 : vector<16xf32>
      %swap3A = arith.constant 0 : i32
      %swap3A_188 = arith.index_cast %rem3A_92 : i32 to index
      %swap3A_189 = arith.index_cast %swap3A : i32 to index
      %swap3A_190 = arith.constant 867 : index
      %swap3A_191 = tpu.vector_load %arg19[%swap3A_188, %swap3A_189, %swap3A_190] {strides = array<i32>} : memref<2x8x883xf32, #tpu.memory_space<vmem>>, vector<16xf32>,
      tpu.vector_store %arg19[%swap3A_188, %swap3A_189, %swap3A_190], %add3A_187 {strides = array<i32>} : memref<2x8x883xf32, #tpu.memory_space<vmem>>, vector<16xf32>,
      %add3A_192 = arith.addf %gather3A_158, %gather3A_174 : vector<16xf32>
      %mul3A_193 = arith.mulf %get3A_146, %gather3A_106 : vector<16xf32>
      %mul3A_194 = arith.mulf %get3A_148, %gather3A_107 : vector<16xf32>
      %add3A_195 = arith.addf %mul3A_193, %mul3A_194 : vector<16xf32>
      %add3A_196 = arith.addf %add3A_192, %add3A_195 : vector<16xf32>
      %swap3A_197 = arith.constant 1 : i32
      %swap3A_198 = arith.index_cast %rem3A_92 : i32 to index
      %swap3A_199 = arith.index_cast %swap3A_197 : i32 to index
      %swap3A_200 = arith.constant 867 : index
      %swap3A_201 = tpu.vector_load %arg19[%swap3A_198, %swap3A_199, %swap3A_200] {strides = array<i32>} : memref<2x8x883xf32, #tpu.memory_space<vmem>>, vector<16xf32>,
      tpu.vector_store %arg19[%swap3A_198, %swap3A_199, %swap3A_200], %add3A_196 {strides = array<i32>} : memref<2x8x883xf32, #tpu.memory_space<vmem>>, vector<16xf32>,
      %add3A_202 = arith.addf %gather3A_162, %gather3A_178 : vector<16xf32>
      %mul3A_203 = arith.mulf %get3A_146, %gather3A_111 : vector<16xf32>
      %mul3A_204 = arith.mulf %get3A_148, %gather3A_112 : vector<16xf32>
      %add3A_205 = arith.addf %mul3A_203, %mul3A_204 : vector<16xf32>
      %add3A_206 = arith.addf %add3A_202, %add3A_205 : vector<16xf32>
      %swap3A_207 = arith.constant 2 : i32
      %swap3A_208 = arith.index_cast %rem3A_92 : i32 to index
      %swap3A_209 = arith.index_cast %swap3A_207 : i32 to index
      %swap3A_210 = arith.constant 867 : index
      %swap3A_211 = tpu.vector_load %arg19[%swap3A_208, %swap3A_209, %swap3A_210] {strides = array<i32>} : memref<2x8x883xf32, #tpu.memory_space<vmem>>, vector<16xf32>,
      tpu.vector_store %arg19[%swap3A_208, %swap3A_209, %swap3A_210], %add3A_206 {strides = array<i32>} : memref<2x8x883xf32, #tpu.memory_space<vmem>>, vector<16xf32>,
      %add3A_212 = arith.addf %gather3A_166, %gather3A_182 : vector<16xf32>
      %mul3A_213 = arith.mulf %get3A_146, %gather3A_116 : vector<16xf32>
      %mul3A_214 = arith.mulf %get3A_148, %gather3A_117 : vector<16xf32>
      %add3A_215 = arith.addf %mul3A_213, %mul3A_214 : vector<16xf32>
      %add3A_216 = arith.addf %add3A_212, %add3A_215 : vector<16xf32>
      %swap3A_217 = arith.constant 3 : i32
      %swap3A_218 = arith.index_cast %rem3A_92 : i32 to index
      %swap3A_219 = arith.index_cast %swap3A_217 : i32 to index
      %swap3A_220 = arith.constant 867 : index
      %swap3A_221 = tpu.vector_load %arg19[%swap3A_218, %swap3A_219, %swap3A_220] {strides = array<i32>} : memref<2x8x883xf32, #tpu.memory_space<vmem>>, vector<16xf32>,
      tpu.vector_store %arg19[%swap3A_218, %swap3A_219, %swap3A_220], %add3A_216 {strides = array<i32>} : memref<2x8x883xf32, #tpu.memory_space<vmem>>, vector<16xf32>,
      %add3A_222 = arith.constant 1152 : i32
      %add3A_223 = vector.broadcast %add3A_222 : i32 to vector<16xi32>
      %add3A_224 = arith.addi %add3A_149, %add3A_223 : vector<16xi32>
      %gather3A_225 = tpu.vector_load_idx %arg11[%add3A_224] : memref<73728xf32, #tpu.memory_space<vmem>>[vector<16xi32>], vector<16xf32>,
      %add3A_226 = arith.constant 1440 : i32
      %add3A_227 = vector.broadcast %add3A_226 : i32 to vector<16xi32>
      %add3A_228 = arith.addi %add3A_149, %add3A_227 : vector<16xi32>
      %gather3A_229 = tpu.vector_load_idx %arg11[%add3A_228] : memref<73728xf32, #tpu.memory_space<vmem>>[vector<16xi32>], vector<16xf32>,
      %add3A_230 = arith.constant 1728 : i32
      %add3A_231 = vector.broadcast %add3A_230 : i32 to vector<16xi32>
      %add3A_232 = arith.addi %add3A_149, %add3A_231 : vector<16xi32>
      %gather3A_233 = tpu.vector_load_idx %arg11[%add3A_232] : memref<73728xf32, #tpu.memory_space<vmem>>[vector<16xi32>], vector<16xf32>,
      %add3A_234 = arith.constant 2016 : i32
      %add3A_235 = vector.broadcast %add3A_234 : i32 to vector<16xi32>
      %add3A_236 = arith.addi %add3A_149, %add3A_235 : vector<16xi32>
      %gather3A_237 = tpu.vector_load_idx %arg11[%add3A_236] : memref<73728xf32, #tpu.memory_space<vmem>>[vector<16xi32>], vector<16xf32>,
      %add3A_238 = arith.constant 64 : i32
      %add3A_239 = vector.broadcast %add3A_238 : i32 to vector<16xi32>
      %add3A_240 = arith.addi %add3A_150, %add3A_239 : vector<16xi32>
      %gather3A_241 = tpu.vector_load_idx %arg12[%add3A_240] : memref<28672xf32, #tpu.memory_space<vmem>>[vector<16xi32>], vector<16xf32>,
      %add3A_242 = arith.constant 80 : i32
      %add3A_243 = vector.broadcast %add3A_242 : i32 to vector<16xi32>
      %add3A_244 = arith.addi %add3A_150, %add3A_243 : vector<16xi32>
      %gather3A_245 = tpu.vector_load_idx %arg12[%add3A_244] : memref<28672xf32, #tpu.memory_space<vmem>>[vector<16xi32>], vector<16xf32>,
      %add3A_246 = arith.constant 96 : i32
      %add3A_247 = vector.broadcast %add3A_246 : i32 to vector<16xi32>
      %add3A_248 = arith.addi %add3A_150, %add3A_247 : vector<16xi32>
      %gather3A_249 = tpu.vector_load_idx %arg12[%add3A_248] : memref<28672xf32, #tpu.memory_space<vmem>>[vector<16xi32>], vector<16xf32>,
      %add3A_250 = arith.constant 112 : i32
      %add3A_251 = vector.broadcast %add3A_250 : i32 to vector<16xi32>
      %add3A_252 = arith.addi %add3A_150, %add3A_251 : vector<16xi32>
      %gather3A_253 = tpu.vector_load_idx %arg12[%add3A_252] : memref<28672xf32, #tpu.memory_space<vmem>>[vector<16xi32>], vector<16xf32>,
      %add3A_254 = arith.addf %gather3A_225, %gather3A_241 : vector<16xf32>
      %mul3A_255 = arith.mulf %get3A_146, %gather3A_121 : vector<16xf32>
      %mul3A_256 = arith.mulf %get3A_148, %gather3A_122 : vector<16xf32>
      %add3A_257 = arith.addf %mul3A_255, %mul3A_256 : vector<16xf32>
      %add3A_258 = arith.addf %add3A_254, %add3A_257 : vector<16xf32>
      %swap3A_259 = arith.constant 4 : i32
      %swap3A_260 = arith.index_cast %rem3A_92 : i32 to index
      %swap3A_261 = arith.index_cast %swap3A_259 : i32 to index
      %swap3A_262 = arith.constant 867 : index
      %swap3A_263 = tpu.vector_load %arg19[%swap3A_260, %swap3A_261, %swap3A_262] {strides = array<i32>} : memref<2x8x883xf32, #tpu.memory_space<vmem>>, vector<16xf32>,
      tpu.vector_store %arg19[%swap3A_260, %swap3A_261, %swap3A_262], %add3A_258 {strides = array<i32>} : memref<2x8x883xf32, #tpu.memory_space<vmem>>, vector<16xf32>,
      %add3A_264 = arith.addf %gather3A_229, %gather3A_245 : vector<16xf32>
      %mul3A_265 = arith.mulf %get3A_146, %gather3A_126 : vector<16xf32>
      %mul3A_266 = arith.mulf %get3A_148, %gather3A_127 : vector<16xf32>
      %add3A_267 = arith.addf %mul3A_265, %mul3A_266 : vector<16xf32>
      %add3A_268 = arith.addf %add3A_264, %add3A_267 : vector<16xf32>
      %swap3A_269 = arith.constant 5 : i32
      %swap3A_270 = arith.index_cast %rem3A_92 : i32 to index
      %swap3A_271 = arith.index_cast %swap3A_269 : i32 to index
      %swap3A_272 = arith.constant 867 : index
      %swap3A_273 = tpu.vector_load %arg19[%swap3A_270, %swap3A_271, %swap3A_272] {strides = array<i32>} : memref<2x8x883xf32, #tpu.memory_space<vmem>>, vector<16xf32>,
      tpu.vector_store %arg19[%swap3A_270, %swap3A_271, %swap3A_272], %add3A_268 {strides = array<i32>} : memref<2x8x883xf32, #tpu.memory_space<vmem>>, vector<16xf32>,
      %add3A_274 = arith.addf %gather3A_233, %gather3A_249 : vector<16xf32>
      %mul3A_275 = arith.mulf %get3A_146, %gather3A_131 : vector<16xf32>
      %mul3A_276 = arith.mulf %get3A_148, %gather3A_132 : vector<16xf32>
      %add3A_277 = arith.addf %mul3A_275, %mul3A_276 : vector<16xf32>
      %add3A_278 = arith.addf %add3A_274, %add3A_277 : vector<16xf32>
      %swap3A_279 = arith.constant 6 : i32
      %swap3A_280 = arith.index_cast %rem3A_92 : i32 to index
      %swap3A_281 = arith.index_cast %swap3A_279 : i32 to index
      %swap3A_282 = arith.constant 867 : index
      %swap3A_283 = tpu.vector_load %arg19[%swap3A_280, %swap3A_281, %swap3A_282] {strides = array<i32>} : memref<2x8x883xf32, #tpu.memory_space<vmem>>, vector<16xf32>,
      tpu.vector_store %arg19[%swap3A_280, %swap3A_281, %swap3A_282], %add3A_278 {strides = array<i32>} : memref<2x8x883xf32, #tpu.memory_space<vmem>>, vector<16xf32>,
      %add3A_284 = arith.addf %gather3A_237, %gather3A_253 : vector<16xf32>
      %mul3A_285 = arith.mulf %get3A_146, %gather3A_136 : vector<16xf32>
      %mul3A_286 = arith.mulf %get3A_148, %gather3A_137 : vector<16xf32>
      %add3A_287 = arith.addf %mul3A_285, %mul3A_286 : vector<16xf32>
      %add3A_288 = arith.addf %add3A_284, %add3A_287 : vector<16xf32>
      %swap3A_289 = arith.constant 7 : i32
      %swap3A_290 = arith.index_cast %rem3A_92 : i32 to index
      %swap3A_291 = arith.index_cast %swap3A_289 : i32 to index
      %swap3A_292 = arith.constant 867 : index
      %swap3A_293 = tpu.vector_load %arg19[%swap3A_290, %swap3A_291, %swap3A_292] {strides = array<i32>} : memref<2x8x883xf32, #tpu.memory_space<vmem>>, vector<16xf32>,
      tpu.vector_store %arg19[%swap3A_290, %swap3A_291, %swap3A_292], %add3A_288 {strides = array<i32>} : memref<2x8x883xf32, #tpu.memory_space<vmem>>, vector<16xf32>,
      %dma_start3A = arith.constant 0 : i32
      %dma_start3A_294 = arith.constant 0 : i32
      %dma_start3A_295 = tpu.memref_slice %arg19[%rem3A_92, %dma_start3A, %dma_start3A_294] : memref<2x8x883xf32, #tpu.memory_space<vmem>> -> memref<1x8x883xf32, #tpu.memory_space<vmem>>
      %dma_start3A_296 = tpu.memref_squeeze %dma_start3A_295 : memref<1x8x883xf32, #tpu.memory_space<vmem>> -> memref<8x883xf32, #tpu.memory_space<vmem>>
      %dma_start3A_297 = arith.constant 0 : i32
      %dma_start3A_298 = tpu.memref_slice %arg10[%add3A_4, %mul3A_91, %dma_start3A_297] : memref<64x256x883xf32, #tpu.memory_space<hbm>> -> memref<1x8x883xf32, #tpu.memory_space<hbm>>
      %dma_start3A_299 = tpu.memref_squeeze %dma_start3A_298 : memref<1x8x883xf32, #tpu.memory_space<hbm>> -> memref<8x883xf32, #tpu.memory_space<hbm>>
      %dma_start3A_300 = arith.constant 0 : i32
      %dma_start3A_301 = tpu.memref_slice %arg10[%add3A_4, %mul3A_91, %dma_start3A_300] : memref<64x256x883xf32, #tpu.memory_space<hbm>> -> memref<1x8x883xf32, #tpu.memory_space<hbm>>
      %dma_start3A_302 = tpu.memref_squeeze %dma_start3A_301 : memref<1x8x883xf32, #tpu.memory_space<hbm>> -> memref<8x883xf32, #tpu.memory_space<hbm>>
      %dma_start3A_303 = arith.constant 0 : i32
      %dma_start3A_304 = arith.constant 0 : i32
      %dma_start3A_305 = tpu.memref_slice %arg19[%rem3A_92, %dma_start3A_303, %dma_start3A_304] : memref<2x8x883xf32, #tpu.memory_space<vmem>> -> memref<1x8x883xf32, #tpu.memory_space<vmem>>
      %dma_start3A_306 = tpu.memref_squeeze %dma_start3A_305 : memref<1x8x883xf32, #tpu.memory_space<vmem>> -> memref<8x883xf32, #tpu.memory_space<vmem>>
      tpu.enqueue_dma source(%dma_start3A_306 : memref<8x883xf32, #tpu.memory_space<vmem>>) target(%dma_start3A_302 : memref<8x883xf32, #tpu.memory_space<hbm>>) target_semaphore(%arg20 : memref<!tpu.dma_semaphore, #tpu.memory_space<semaphore_mem>>)
    }
    %scan3A_10 = arith.constant 32 : i32
    %dma_wait3A = arith.constant 0 : i32
    %dma_wait3A_11 = arith.constant 0 : i32
    %dma_wait3A_12 = arith.constant 0 : i32
    %dma_wait3A_13 = tpu.memref_slice %arg19[%dma_wait3A, %dma_wait3A_11, %dma_wait3A_12] : memref<2x8x883xf32, #tpu.memory_space<vmem>> -> memref<1x8x883xf32, #tpu.memory_space<vmem>>
    %dma_wait3A_14 = tpu.memref_squeeze %dma_wait3A_13 : memref<1x8x883xf32, #tpu.memory_space<vmem>> -> memref<8x883xf32, #tpu.memory_space<vmem>>
    %dma_wait3A_15 = arith.constant 0 : i32
    %dma_wait3A_16 = arith.constant 0 : i32
    %dma_wait3A_17 = tpu.memref_slice %arg10[%add3A_4, %dma_wait3A_15, %dma_wait3A_16] : memref<64x256x883xf32, #tpu.memory_space<hbm>> -> memref<1x8x883xf32, #tpu.memory_space<hbm>>
    %dma_wait3A_18 = tpu.memref_squeeze %dma_wait3A_17 : memref<1x8x883xf32, #tpu.memory_space<hbm>> -> memref<8x883xf32, #tpu.memory_space<hbm>>
    %dma_wait3A_19 = arith.constant 0 : i32
    %dma_wait3A_20 = arith.constant 0 : i32
    %dma_wait3A_21 = tpu.memref_slice %arg10[%add3A_4, %dma_wait3A_19, %dma_wait3A_20] : memref<64x256x883xf32, #tpu.memory_space<hbm>> -> memref<1x8x883xf32, #tpu.memory_space<hbm>>
    %dma_wait3A_22 = tpu.memref_squeeze %dma_wait3A_21 : memref<1x8x883xf32, #tpu.memory_space<hbm>> -> memref<8x883xf32, #tpu.memory_space<hbm>>
    %dma_wait3A_23 = arith.constant 0 : i32
    %dma_wait3A_24 = arith.constant 0 : i32
    %dma_wait3A_25 = tpu.memref_slice %arg19[%dma_wait3A, %dma_wait3A_23, %dma_wait3A_24] : memref<2x8x883xf32, #tpu.memory_space<vmem>> -> memref<1x8x883xf32, #tpu.memory_space<vmem>>
    %dma_wait3A_26 = tpu.memref_squeeze %dma_wait3A_25 : memref<1x8x883xf32, #tpu.memory_space<vmem>> -> memref<8x883xf32, #tpu.memory_space<vmem>>
    tpu.wait_dma2 semaphore(%arg20 : memref<!tpu.dma_semaphore, #tpu.memory_space<semaphore_mem>>) src(%dma_wait3A_26 : memref<8x883xf32, #tpu.memory_space<vmem>>) dst(%dma_wait3A_22 : memref<8x883xf32, #tpu.memory_space<hbm>>)
    %dma_wait3A_27 = arith.constant 1 : i32
    %dma_wait3A_28 = arith.constant 0 : i32
    %dma_wait3A_29 = arith.constant 0 : i32
    %dma_wait3A_30 = tpu.memref_slice %arg19[%dma_wait3A_27, %dma_wait3A_28, %dma_wait3A_29] : memref<2x8x883xf32, #tpu.memory_space<vmem>> -> memref<1x8x883xf32, #tpu.memory_space<vmem>>
    %dma_wait3A_31 = tpu.memref_squeeze %dma_wait3A_30 : memref<1x8x883xf32, #tpu.memory_space<vmem>> -> memref<8x883xf32, #tpu.memory_space<vmem>>
    %dma_wait3A_32 = arith.constant 0 : i32
    %dma_wait3A_33 = arith.constant 0 : i32
    %dma_wait3A_34 = tpu.memref_slice %arg10[%add3A_4, %dma_wait3A_32, %dma_wait3A_33] : memref<64x256x883xf32, #tpu.memory_space<hbm>> -> memref<1x8x883xf32, #tpu.memory_space<hbm>>
    %dma_wait3A_35 = tpu.memref_squeeze %dma_wait3A_34 : memref<1x8x883xf32, #tpu.memory_space<hbm>> -> memref<8x883xf32, #tpu.memory_space<hbm>>
    %dma_wait3A_36 = arith.constant 0 : i32
    %dma_wait3A_37 = arith.constant 0 : i32
    %dma_wait3A_38 = tpu.memref_slice %arg10[%add3A_4, %dma_wait3A_36, %dma_wait3A_37] : memref<64x256x883xf32, #tpu.memory_space<hbm>> -> memref<1x8x883xf32, #tpu.memory_space<hbm>>
    %dma_wait3A_39 = tpu.memref_squeeze %dma_wait3A_38 : memref<1x8x883xf32, #tpu.memory_space<hbm>> -> memref<8x883xf32, #tpu.memory_space<hbm>>
    %dma_wait3A_40 = arith.constant 0 : i32
    %dma_wait3A_41 = arith.constant 0 : i32
    %dma_wait3A_42 = tpu.memref_slice %arg19[%dma_wait3A_27, %dma_wait3A_40, %dma_wait3A_41] : memref<2x8x883xf32, #tpu.memory_space<vmem>> -> memref<1x8x883xf32, #tpu.memory_space<vmem>>
    %dma_wait3A_43 = tpu.memref_squeeze %dma_wait3A_42 : memref<1x8x883xf32, #tpu.memory_space<vmem>> -> memref<8x883xf32, #tpu.memory_space<vmem>>
    tpu.wait_dma2 semaphore(%arg20 : memref<!tpu.dma_semaphore, #tpu.memory_space<semaphore_mem>>) src(%dma_wait3A_43 : memref<8x883xf32, #tpu.memory_space<vmem>>) dst(%dma_wait3A_39 : memref<8x883xf32, #tpu.memory_space<hbm>>)
    %mul3A_44 = arith.constant 2 : i32
    %mul3A_45 = arith.muli %add3A, %mul3A_44 : i32
    %add3A_46 = arith.constant 1 : i32
    %add3A_47 = arith.addi %mul3A_45, %add3A_46 : i32
    %mul3A_48 = arith.constant 896 : i32
    %mul3A_49 = arith.muli %add3A_47, %mul3A_48 : i32
    "tpu.region"() ({
      %run_scoped3A = tpu.sem_alloc : memref<!tpu.dma_semaphore, #tpu.memory_space<semaphore_mem>>
      %dma_start3A = tpu.memref_slice %arg6[%mul3A_49] : memref<57344xi32, #tpu.memory_space<hbm>> -> memref<896xi32, #tpu.memory_space<hbm>>
      %dma_start3A_89 = tpu.memref_slice %arg6[%mul3A_49] : memref<57344xi32, #tpu.memory_space<hbm>> -> memref<896xi32, #tpu.memory_space<hbm>>
      tpu.enqueue_dma source(%dma_start3A_89 : memref<896xi32, #tpu.memory_space<hbm>>) target(%arg15 : memref<896xi32, #tpu.memory_space<vmem>>) target_semaphore(%run_scoped3A : memref<!tpu.dma_semaphore, #tpu.memory_space<semaphore_mem>>)
      %dma_wait3A_90 = tpu.memref_slice %arg6[%mul3A_49] : memref<57344xi32, #tpu.memory_space<hbm>> -> memref<896xi32, #tpu.memory_space<hbm>>
      %dma_wait3A_91 = tpu.memref_slice %arg6[%mul3A_49] : memref<57344xi32, #tpu.memory_space<hbm>> -> memref<896xi32, #tpu.memory_space<hbm>>
      tpu.wait_dma2 semaphore(%run_scoped3A : memref<!tpu.dma_semaphore, #tpu.memory_space<semaphore_mem>>) src(%dma_wait3A_91 : memref<896xi32, #tpu.memory_space<hbm>>) dst(%arg15 : memref<896xi32, #tpu.memory_space<vmem>>)
      tpu.yield
    }) : () -> ()
    "tpu.region"() ({
      %run_scoped3A = tpu.sem_alloc : memref<!tpu.dma_semaphore, #tpu.memory_space<semaphore_mem>>
      %dma_start3A = tpu.memref_slice %arg7[%mul3A_49] : memref<57344xi32, #tpu.memory_space<hbm>> -> memref<896xi32, #tpu.memory_space<hbm>>
      %dma_start3A_89 = tpu.memref_slice %arg7[%mul3A_49] : memref<57344xi32, #tpu.memory_space<hbm>> -> memref<896xi32, #tpu.memory_space<hbm>>
      tpu.enqueue_dma source(%dma_start3A_89 : memref<896xi32, #tpu.memory_space<hbm>>) target(%arg16 : memref<896xi32, #tpu.memory_space<vmem>>) target_semaphore(%run_scoped3A : memref<!tpu.dma_semaphore, #tpu.memory_space<semaphore_mem>>)
      %dma_wait3A_90 = tpu.memref_slice %arg7[%mul3A_49] : memref<57344xi32, #tpu.memory_space<hbm>> -> memref<896xi32, #tpu.memory_space<hbm>>
      %dma_wait3A_91 = tpu.memref_slice %arg7[%mul3A_49] : memref<57344xi32, #tpu.memory_space<hbm>> -> memref<896xi32, #tpu.memory_space<hbm>>
      tpu.wait_dma2 semaphore(%run_scoped3A : memref<!tpu.dma_semaphore, #tpu.memory_space<semaphore_mem>>) src(%dma_wait3A_91 : memref<896xi32, #tpu.memory_space<hbm>>) dst(%arg16 : memref<896xi32, #tpu.memory_space<vmem>>)
      tpu.yield
    }) : () -> ()
    "tpu.region"() ({
      %run_scoped3A = tpu.sem_alloc : memref<!tpu.dma_semaphore, #tpu.memory_space<semaphore_mem>>
      %dma_start3A = tpu.memref_slice %arg8[%mul3A_49] : memref<57344xf32, #tpu.memory_space<hbm>> -> memref<896xf32, #tpu.memory_space<hbm>>
      %dma_start3A_89 = tpu.memref_slice %arg8[%mul3A_49] : memref<57344xf32, #tpu.memory_space<hbm>> -> memref<896xf32, #tpu.memory_space<hbm>>
      tpu.enqueue_dma source(%dma_start3A_89 : memref<896xf32, #tpu.memory_space<hbm>>) target(%arg17 : memref<896xf32, #tpu.memory_space<vmem>>) target_semaphore(%run_scoped3A : memref<!tpu.dma_semaphore, #tpu.memory_space<semaphore_mem>>)
      %dma_wait3A_90 = tpu.memref_slice %arg8[%mul3A_49] : memref<57344xf32, #tpu.memory_space<hbm>> -> memref<896xf32, #tpu.memory_space<hbm>>
      %dma_wait3A_91 = tpu.memref_slice %arg8[%mul3A_49] : memref<57344xf32, #tpu.memory_space<hbm>> -> memref<896xf32, #tpu.memory_space<hbm>>
      tpu.wait_dma2 semaphore(%run_scoped3A : memref<!tpu.dma_semaphore, #tpu.memory_space<semaphore_mem>>) src(%dma_wait3A_91 : memref<896xf32, #tpu.memory_space<hbm>>) dst(%arg17 : memref<896xf32, #tpu.memory_space<vmem>>)
      tpu.yield
    }) : () -> ()
    "tpu.region"() ({
      %run_scoped3A = tpu.sem_alloc : memref<!tpu.dma_semaphore, #tpu.memory_space<semaphore_mem>>
      %dma_start3A = tpu.memref_slice %arg9[%mul3A_49] : memref<57344xf32, #tpu.memory_space<hbm>> -> memref<896xf32, #tpu.memory_space<hbm>>
      %dma_start3A_89 = tpu.memref_slice %arg9[%mul3A_49] : memref<57344xf32, #tpu.memory_space<hbm>> -> memref<896xf32, #tpu.memory_space<hbm>>
      tpu.enqueue_dma source(%dma_start3A_89 : memref<896xf32, #tpu.memory_space<hbm>>) target(%arg18 : memref<896xf32, #tpu.memory_space<vmem>>) target_semaphore(%run_scoped3A : memref<!tpu.dma_semaphore, #tpu.memory_space<semaphore_mem>>)
      %dma_wait3A_90 = tpu.memref_slice %arg9[%mul3A_49] : memref<57344xf32, #tpu.memory_space<hbm>> -> memref<896xf32, #tpu.memory_space<hbm>>
      %dma_wait3A_91 = tpu.memref_slice %arg9[%mul3A_49] : memref<57344xf32, #tpu.memory_space<hbm>> -> memref<896xf32, #tpu.memory_space<hbm>>
      tpu.wait_dma2 semaphore(%run_scoped3A : memref<!tpu.dma_semaphore, #tpu.memory_space<semaphore_mem>>) src(%dma_wait3A_91 : memref<896xf32, #tpu.memory_space<hbm>>) dst(%arg18 : memref<896xf32, #tpu.memory_space<vmem>>)
      tpu.yield
    }) : () -> ()
    %scan3A_50 = arith.constant 0 : i32
    %scan3A_51 = arith.constant 32 : i32
    %scan3A_52 = arith.addi %scan3A_50, %scan3A_51 : i32
    %scan3A_53 = arith.constant 1 : i32
    scf.for %scan3A_89 = %scan3A_50 to %scan3A_52 step %scan3A_53  : i32 {
      %mul3A_90 = arith.constant 8 : i32
      %mul3A_91 = arith.muli %scan3A_89, %mul3A_90 : i32
      %rem3A = arith.constant 2 : i32
      %rem3A_92 = arith.remsi %scan3A_89, %rem3A : i32
      %mul3A_93 = arith.constant 288 : i32
      %mul3A_94 = arith.muli %mul3A_91, %mul3A_93 : i32
      %broadcast_in_dim3A = vector.broadcast %mul3A_94 : i32 to vector<16xi32>
      %iota3A = tpu.iota {dimensions = array<i32: 0>} : vector<16xi32>
      %mul3A_95 = arith.constant 16 : i32
      %mul3A_96 = arith.muli %mul3A_91, %mul3A_95 : i32
      %add3A_97 = vector.broadcast %mul3A_96 : i32 to vector<16xi32>
      %add3A_98 = arith.addi %iota3A, %add3A_97 : vector<16xi32>
      %add3A_99 = arith.constant 0 : i32
      %add3A_100 = vector.broadcast %add3A_99 : i32 to vector<16xi32>
      %add3A_101 = arith.addi %add3A_98, %add3A_100 : vector<16xi32>
      %gather3A = tpu.vector_load_idx %arg13[%add3A_101] : memref<4096xf32, #tpu.memory_space<vmem>>[vector<16xi32>], vector<16xf32>,
      %gather3A_102 = tpu.vector_load_idx %arg14[%add3A_101] : memref<4096xf32, #tpu.memory_space<vmem>>[vector<16xi32>], vector<16xf32>,
      %add3A_103 = arith.constant 16 : i32
      %add3A_104 = vector.broadcast %add3A_103 : i32 to vector<16xi32>
      %add3A_105 = arith.addi %add3A_98, %add3A_104 : vector<16xi32>
      %gather3A_106 = tpu.vector_load_idx %arg13[%add3A_105] : memref<4096xf32, #tpu.memory_space<vmem>>[vector<16xi32>], vector<16xf32>,
      %gather3A_107 = tpu.vector_load_idx %arg14[%add3A_105] : memref<4096xf32, #tpu.memory_space<vmem>>[vector<16xi32>], vector<16xf32>,
      %add3A_108 = arith.constant 32 : i32
      %add3A_109 = vector.broadcast %add3A_108 : i32 to vector<16xi32>
      %add3A_110 = arith.addi %add3A_98, %add3A_109 : vector<16xi32>
      %gather3A_111 = tpu.vector_load_idx %arg13[%add3A_110] : memref<4096xf32, #tpu.memory_space<vmem>>[vector<16xi32>], vector<16xf32>,
      %gather3A_112 = tpu.vector_load_idx %arg14[%add3A_110] : memref<4096xf32, #tpu.memory_space<vmem>>[vector<16xi32>], vector<16xf32>,
      %add3A_113 = arith.constant 48 : i32
      %add3A_114 = vector.broadcast %add3A_113 : i32 to vector<16xi32>
      %add3A_115 = arith.addi %add3A_98, %add3A_114 : vector<16xi32>
      %gather3A_116 = tpu.vector_load_idx %arg13[%add3A_115] : memref<4096xf32, #tpu.memory_space<vmem>>[vector<16xi32>], vector<16xf32>,
      %gather3A_117 = tpu.vector_load_idx %arg14[%add3A_115] : memref<4096xf32, #tpu.memory_space<vmem>>[vector<16xi32>], vector<16xf32>,
      %add3A_118 = arith.constant 64 : i32
      %add3A_119 = vector.broadcast %add3A_118 : i32 to vector<16xi32>
      %add3A_120 = arith.addi %add3A_98, %add3A_119 : vector<16xi32>
      %gather3A_121 = tpu.vector_load_idx %arg13[%add3A_120] : memref<4096xf32, #tpu.memory_space<vmem>>[vector<16xi32>], vector<16xf32>,
      %gather3A_122 = tpu.vector_load_idx %arg14[%add3A_120] : memref<4096xf32, #tpu.memory_space<vmem>>[vector<16xi32>], vector<16xf32>,
      %add3A_123 = arith.constant 80 : i32
      %add3A_124 = vector.broadcast %add3A_123 : i32 to vector<16xi32>
      %add3A_125 = arith.addi %add3A_98, %add3A_124 : vector<16xi32>
      %gather3A_126 = tpu.vector_load_idx %arg13[%add3A_125] : memref<4096xf32, #tpu.memory_space<vmem>>[vector<16xi32>], vector<16xf32>,
      %gather3A_127 = tpu.vector_load_idx %arg14[%add3A_125] : memref<4096xf32, #tpu.memory_space<vmem>>[vector<16xi32>], vector<16xf32>,
      %add3A_128 = arith.constant 96 : i32
      %add3A_129 = vector.broadcast %add3A_128 : i32 to vector<16xi32>
      %add3A_130 = arith.addi %add3A_98, %add3A_129 : vector<16xi32>
      %gather3A_131 = tpu.vector_load_idx %arg13[%add3A_130] : memref<4096xf32, #tpu.memory_space<vmem>>[vector<16xi32>], vector<16xf32>,
      %gather3A_132 = tpu.vector_load_idx %arg14[%add3A_130] : memref<4096xf32, #tpu.memory_space<vmem>>[vector<16xi32>], vector<16xf32>,
      %add3A_133 = arith.constant 112 : i32
      %add3A_134 = vector.broadcast %add3A_133 : i32 to vector<16xi32>
      %add3A_135 = arith.addi %add3A_98, %add3A_134 : vector<16xi32>
      %gather3A_136 = tpu.vector_load_idx %arg13[%add3A_135] : memref<4096xf32, #tpu.memory_space<vmem>>[vector<16xi32>], vector<16xf32>,
      %gather3A_137 = tpu.vector_load_idx %arg14[%add3A_135] : memref<4096xf32, #tpu.memory_space<vmem>>[vector<16xi32>], vector<16xf32>,
      %ge3A = arith.constant 2 : i32
      %ge3A_138 = arith.cmpi sge, %scan3A_89, %ge3A : i32
      %convert_element_type3A = arith.extui %ge3A_138 : i1 to i32
      %cond3A = arith.constant 0 : i32
      %cond3A_139 = arith.cmpi ne, %convert_element_type3A, %cond3A : i32
      scf.if %cond3A_139 {
        %dma_wait3A_307 = arith.constant 0 : i32
        %dma_wait3A_308 = arith.constant 0 : i32
        %dma_wait3A_309 = tpu.memref_slice %arg19[%rem3A_92, %dma_wait3A_307, %dma_wait3A_308] : memref<2x8x883xf32, #tpu.memory_space<vmem>> -> memref<1x8x883xf32, #tpu.memory_space<vmem>>
        %dma_wait3A_310 = tpu.memref_squeeze %dma_wait3A_309 : memref<1x8x883xf32, #tpu.memory_space<vmem>> -> memref<8x883xf32, #tpu.memory_space<vmem>>
        %dma_wait3A_311 = arith.constant 0 : i32
        %dma_wait3A_312 = tpu.memref_slice %arg10[%add3A_47, %mul3A_91, %dma_wait3A_311] : memref<64x256x883xf32, #tpu.memory_space<hbm>> -> memref<1x8x883xf32, #tpu.memory_space<hbm>>
        %dma_wait3A_313 = tpu.memref_squeeze %dma_wait3A_312 : memref<1x8x883xf32, #tpu.memory_space<hbm>> -> memref<8x883xf32, #tpu.memory_space<hbm>>
        %dma_wait3A_314 = arith.constant 0 : i32
        %dma_wait3A_315 = tpu.memref_slice %arg10[%add3A_47, %mul3A_91, %dma_wait3A_314] : memref<64x256x883xf32, #tpu.memory_space<hbm>> -> memref<1x8x883xf32, #tpu.memory_space<hbm>>
        %dma_wait3A_316 = tpu.memref_squeeze %dma_wait3A_315 : memref<1x8x883xf32, #tpu.memory_space<hbm>> -> memref<8x883xf32, #tpu.memory_space<hbm>>
        %dma_wait3A_317 = arith.constant 0 : i32
        %dma_wait3A_318 = arith.constant 0 : i32
        %dma_wait3A_319 = tpu.memref_slice %arg19[%rem3A_92, %dma_wait3A_317, %dma_wait3A_318] : memref<2x8x883xf32, #tpu.memory_space<vmem>> -> memref<1x8x883xf32, #tpu.memory_space<vmem>>
        %dma_wait3A_320 = tpu.memref_squeeze %dma_wait3A_319 : memref<1x8x883xf32, #tpu.memory_space<vmem>> -> memref<8x883xf32, #tpu.memory_space<vmem>>
        tpu.wait_dma2 semaphore(%arg20 : memref<!tpu.dma_semaphore, #tpu.memory_space<semaphore_mem>>) src(%dma_wait3A_320 : memref<8x883xf32, #tpu.memory_space<vmem>>) dst(%dma_wait3A_316 : memref<8x883xf32, #tpu.memory_space<hbm>>)
      } else {
      }
      %parallel_loop3A = arith.constant 0 : i32
      %parallel_loop3A_140 = arith.constant 55 : i32
      %parallel_loop3A_141 = arith.constant 1 : i32
      scf.for %parallel_loop3A_307 = %parallel_loop3A to %parallel_loop3A_140 step %parallel_loop3A_141  : i32 {
        %parallel_loop3A_308 = arith.constant 16 : i32
        %parallel_loop3A_309 = arith.muli %parallel_loop3A_307, %parallel_loop3A_308 : i32
        %parallel_loop3A_310 = arith.index_cast %parallel_loop3A_309 : i32 to index
        %parallel_loop3A_311 = tpu.vector_load %arg15[%parallel_loop3A_310] {strides = array<i32>} : memref<896xi32, #tpu.memory_space<vmem>>, vector<16xi32>,
        %parallel_loop3A_312 = arith.index_cast %parallel_loop3A_309 : i32 to index
        %parallel_loop3A_313 = tpu.vector_load %arg16[%parallel_loop3A_312] {strides = array<i32>} : memref<896xi32, #tpu.memory_space<vmem>>, vector<16xi32>,
        %parallel_loop3A_314 = arith.index_cast %parallel_loop3A_309 : i32 to index
        %parallel_loop3A_315 = tpu.vector_load %arg17[%parallel_loop3A_314] {strides = array<i32>} : memref<896xf32, #tpu.memory_space<vmem>>, vector<16xf32>,
        %parallel_loop3A_316 = arith.index_cast %parallel_loop3A_309 : i32 to index
        %parallel_loop3A_317 = tpu.vector_load %arg18[%parallel_loop3A_316] {strides = array<i32>} : memref<896xf32, #tpu.memory_space<vmem>>, vector<16xf32>,
        %parallel_loop3A_318 = arith.addi %parallel_loop3A_311, %broadcast_in_dim3A : vector<16xi32>
        %parallel_loop3A_319 = arith.addi %parallel_loop3A_313, %add3A_98 : vector<16xi32>
        %parallel_loop3A_320 = arith.constant 0 : i32
        %parallel_loop3A_321 = vector.broadcast %parallel_loop3A_320 : i32 to vector<16xi32>
        %parallel_loop3A_322 = arith.addi %parallel_loop3A_318, %parallel_loop3A_321 : vector<16xi32>
        %parallel_loop3A_323 = tpu.vector_load_idx %arg11[%parallel_loop3A_322] : memref<73728xf32, #tpu.memory_space<vmem>>[vector<16xi32>], vector<16xf32>,
        %parallel_loop3A_324 = arith.constant 288 : i32
        %parallel_loop3A_325 = vector.broadcast %parallel_loop3A_324 : i32 to vector<16xi32>
        %parallel_loop3A_326 = arith.addi %parallel_loop3A_318, %parallel_loop3A_325 : vector<16xi32>
        %parallel_loop3A_327 = tpu.vector_load_idx %arg11[%parallel_loop3A_326] : memref<73728xf32, #tpu.memory_space<vmem>>[vector<16xi32>], vector<16xf32>,
        %parallel_loop3A_328 = arith.constant 576 : i32
        %parallel_loop3A_329 = vector.broadcast %parallel_loop3A_328 : i32 to vector<16xi32>
        %parallel_loop3A_330 = arith.addi %parallel_loop3A_318, %parallel_loop3A_329 : vector<16xi32>
        %parallel_loop3A_331 = tpu.vector_load_idx %arg11[%parallel_loop3A_330] : memref<73728xf32, #tpu.memory_space<vmem>>[vector<16xi32>], vector<16xf32>,
        %parallel_loop3A_332 = arith.constant 864 : i32
        %parallel_loop3A_333 = vector.broadcast %parallel_loop3A_332 : i32 to vector<16xi32>
        %parallel_loop3A_334 = arith.addi %parallel_loop3A_318, %parallel_loop3A_333 : vector<16xi32>
        %parallel_loop3A_335 = tpu.vector_load_idx %arg11[%parallel_loop3A_334] : memref<73728xf32, #tpu.memory_space<vmem>>[vector<16xi32>], vector<16xf32>,
        %parallel_loop3A_336 = arith.constant 0 : i32
        %parallel_loop3A_337 = vector.broadcast %parallel_loop3A_336 : i32 to vector<16xi32>
        %parallel_loop3A_338 = arith.addi %parallel_loop3A_319, %parallel_loop3A_337 : vector<16xi32>
        %parallel_loop3A_339 = tpu.vector_load_idx %arg12[%parallel_loop3A_338] : memref<28672xf32, #tpu.memory_space<vmem>>[vector<16xi32>], vector<16xf32>,
        %parallel_loop3A_340 = arith.constant 16 : i32
        %parallel_loop3A_341 = vector.broadcast %parallel_loop3A_340 : i32 to vector<16xi32>
        %parallel_loop3A_342 = arith.addi %parallel_loop3A_319, %parallel_loop3A_341 : vector<16xi32>
        %parallel_loop3A_343 = tpu.vector_load_idx %arg12[%parallel_loop3A_342] : memref<28672xf32, #tpu.memory_space<vmem>>[vector<16xi32>], vector<16xf32>,
        %parallel_loop3A_344 = arith.constant 32 : i32
        %parallel_loop3A_345 = vector.broadcast %parallel_loop3A_344 : i32 to vector<16xi32>
        %parallel_loop3A_346 = arith.addi %parallel_loop3A_319, %parallel_loop3A_345 : vector<16xi32>
        %parallel_loop3A_347 = tpu.vector_load_idx %arg12[%parallel_loop3A_346] : memref<28672xf32, #tpu.memory_space<vmem>>[vector<16xi32>], vector<16xf32>,
        %parallel_loop3A_348 = arith.constant 48 : i32
        %parallel_loop3A_349 = vector.broadcast %parallel_loop3A_348 : i32 to vector<16xi32>
        %parallel_loop3A_350 = arith.addi %parallel_loop3A_319, %parallel_loop3A_349 : vector<16xi32>
        %parallel_loop3A_351 = tpu.vector_load_idx %arg12[%parallel_loop3A_350] : memref<28672xf32, #tpu.memory_space<vmem>>[vector<16xi32>], vector<16xf32>,
        %parallel_loop3A_352 = arith.addf %parallel_loop3A_323, %parallel_loop3A_339 : vector<16xf32>
        %parallel_loop3A_353 = arith.mulf %parallel_loop3A_315, %gather3A : vector<16xf32>
        %parallel_loop3A_354 = arith.mulf %parallel_loop3A_317, %gather3A_102 : vector<16xf32>
        %parallel_loop3A_355 = arith.addf %parallel_loop3A_353, %parallel_loop3A_354 : vector<16xf32>
        %parallel_loop3A_356 = arith.addf %parallel_loop3A_352, %parallel_loop3A_355 : vector<16xf32>
        %parallel_loop3A_357 = arith.constant 0 : i32
        %parallel_loop3A_358 = arith.index_cast %rem3A_92 : i32 to index
        %parallel_loop3A_359 = arith.index_cast %parallel_loop3A_357 : i32 to index
        %parallel_loop3A_360 = arith.index_cast %parallel_loop3A_309 : i32 to index
        %parallel_loop3A_361 = tpu.vector_load %arg19[%parallel_loop3A_358, %parallel_loop3A_359, %parallel_loop3A_360] {strides = array<i32>} : memref<2x8x883xf32, #tpu.memory_space<vmem>>, vector<16xf32>,
        tpu.vector_store %arg19[%parallel_loop3A_358, %parallel_loop3A_359, %parallel_loop3A_360], %parallel_loop3A_356 {strides = array<i32>} : memref<2x8x883xf32, #tpu.memory_space<vmem>>, vector<16xf32>,
        %parallel_loop3A_362 = arith.addf %parallel_loop3A_327, %parallel_loop3A_343 : vector<16xf32>
        %parallel_loop3A_363 = arith.mulf %parallel_loop3A_315, %gather3A_106 : vector<16xf32>
        %parallel_loop3A_364 = arith.mulf %parallel_loop3A_317, %gather3A_107 : vector<16xf32>
        %parallel_loop3A_365 = arith.addf %parallel_loop3A_363, %parallel_loop3A_364 : vector<16xf32>
        %parallel_loop3A_366 = arith.addf %parallel_loop3A_362, %parallel_loop3A_365 : vector<16xf32>
        %parallel_loop3A_367 = arith.constant 1 : i32
        %parallel_loop3A_368 = arith.index_cast %rem3A_92 : i32 to index
        %parallel_loop3A_369 = arith.index_cast %parallel_loop3A_367 : i32 to index
        %parallel_loop3A_370 = arith.index_cast %parallel_loop3A_309 : i32 to index
        %parallel_loop3A_371 = tpu.vector_load %arg19[%parallel_loop3A_368, %parallel_loop3A_369, %parallel_loop3A_370] {strides = array<i32>} : memref<2x8x883xf32, #tpu.memory_space<vmem>>, vector<16xf32>,
        tpu.vector_store %arg19[%parallel_loop3A_368, %parallel_loop3A_369, %parallel_loop3A_370], %parallel_loop3A_366 {strides = array<i32>} : memref<2x8x883xf32, #tpu.memory_space<vmem>>, vector<16xf32>,
        %parallel_loop3A_372 = arith.addf %parallel_loop3A_331, %parallel_loop3A_347 : vector<16xf32>
        %parallel_loop3A_373 = arith.mulf %parallel_loop3A_315, %gather3A_111 : vector<16xf32>
        %parallel_loop3A_374 = arith.mulf %parallel_loop3A_317, %gather3A_112 : vector<16xf32>
        %parallel_loop3A_375 = arith.addf %parallel_loop3A_373, %parallel_loop3A_374 : vector<16xf32>
        %parallel_loop3A_376 = arith.addf %parallel_loop3A_372, %parallel_loop3A_375 : vector<16xf32>
        %parallel_loop3A_377 = arith.constant 2 : i32
        %parallel_loop3A_378 = arith.index_cast %rem3A_92 : i32 to index
        %parallel_loop3A_379 = arith.index_cast %parallel_loop3A_377 : i32 to index
        %parallel_loop3A_380 = arith.index_cast %parallel_loop3A_309 : i32 to index
        %parallel_loop3A_381 = tpu.vector_load %arg19[%parallel_loop3A_378, %parallel_loop3A_379, %parallel_loop3A_380] {strides = array<i32>} : memref<2x8x883xf32, #tpu.memory_space<vmem>>, vector<16xf32>,
        tpu.vector_store %arg19[%parallel_loop3A_378, %parallel_loop3A_379, %parallel_loop3A_380], %parallel_loop3A_376 {strides = array<i32>} : memref<2x8x883xf32, #tpu.memory_space<vmem>>, vector<16xf32>,
        %parallel_loop3A_382 = arith.addf %parallel_loop3A_335, %parallel_loop3A_351 : vector<16xf32>
        %parallel_loop3A_383 = arith.mulf %parallel_loop3A_315, %gather3A_116 : vector<16xf32>
        %parallel_loop3A_384 = arith.mulf %parallel_loop3A_317, %gather3A_117 : vector<16xf32>
        %parallel_loop3A_385 = arith.addf %parallel_loop3A_383, %parallel_loop3A_384 : vector<16xf32>
        %parallel_loop3A_386 = arith.addf %parallel_loop3A_382, %parallel_loop3A_385 : vector<16xf32>
        %parallel_loop3A_387 = arith.constant 3 : i32
        %parallel_loop3A_388 = arith.index_cast %rem3A_92 : i32 to index
        %parallel_loop3A_389 = arith.index_cast %parallel_loop3A_387 : i32 to index
        %parallel_loop3A_390 = arith.index_cast %parallel_loop3A_309 : i32 to index
        %parallel_loop3A_391 = tpu.vector_load %arg19[%parallel_loop3A_388, %parallel_loop3A_389, %parallel_loop3A_390] {strides = array<i32>} : memref<2x8x883xf32, #tpu.memory_space<vmem>>, vector<16xf32>,
        tpu.vector_store %arg19[%parallel_loop3A_388, %parallel_loop3A_389, %parallel_loop3A_390], %parallel_loop3A_386 {strides = array<i32>} : memref<2x8x883xf32, #tpu.memory_space<vmem>>, vector<16xf32>,
        %parallel_loop3A_392 = arith.constant 1152 : i32
        %parallel_loop3A_393 = vector.broadcast %parallel_loop3A_392 : i32 to vector<16xi32>
        %parallel_loop3A_394 = arith.addi %parallel_loop3A_318, %parallel_loop3A_393 : vector<16xi32>
        %parallel_loop3A_395 = tpu.vector_load_idx %arg11[%parallel_loop3A_394] : memref<73728xf32, #tpu.memory_space<vmem>>[vector<16xi32>], vector<16xf32>,
        %parallel_loop3A_396 = arith.constant 1440 : i32
        %parallel_loop3A_397 = vector.broadcast %parallel_loop3A_396 : i32 to vector<16xi32>
        %parallel_loop3A_398 = arith.addi %parallel_loop3A_318, %parallel_loop3A_397 : vector<16xi32>
        %parallel_loop3A_399 = tpu.vector_load_idx %arg11[%parallel_loop3A_398] : memref<73728xf32, #tpu.memory_space<vmem>>[vector<16xi32>], vector<16xf32>,
        %parallel_loop3A_400 = arith.constant 1728 : i32
        %parallel_loop3A_401 = vector.broadcast %parallel_loop3A_400 : i32 to vector<16xi32>
        %parallel_loop3A_402 = arith.addi %parallel_loop3A_318, %parallel_loop3A_401 : vector<16xi32>
        %parallel_loop3A_403 = tpu.vector_load_idx %arg11[%parallel_loop3A_402] : memref<73728xf32, #tpu.memory_space<vmem>>[vector<16xi32>], vector<16xf32>,
        %parallel_loop3A_404 = arith.constant 2016 : i32
        %parallel_loop3A_405 = vector.broadcast %parallel_loop3A_404 : i32 to vector<16xi32>
        %parallel_loop3A_406 = arith.addi %parallel_loop3A_318, %parallel_loop3A_405 : vector<16xi32>
        %parallel_loop3A_407 = tpu.vector_load_idx %arg11[%parallel_loop3A_406] : memref<73728xf32, #tpu.memory_space<vmem>>[vector<16xi32>], vector<16xf32>,
        %parallel_loop3A_408 = arith.constant 64 : i32
        %parallel_loop3A_409 = vector.broadcast %parallel_loop3A_408 : i32 to vector<16xi32>
        %parallel_loop3A_410 = arith.addi %parallel_loop3A_319, %parallel_loop3A_409 : vector<16xi32>
        %parallel_loop3A_411 = tpu.vector_load_idx %arg12[%parallel_loop3A_410] : memref<28672xf32, #tpu.memory_space<vmem>>[vector<16xi32>], vector<16xf32>,
        %parallel_loop3A_412 = arith.constant 80 : i32
        %parallel_loop3A_413 = vector.broadcast %parallel_loop3A_412 : i32 to vector<16xi32>
        %parallel_loop3A_414 = arith.addi %parallel_loop3A_319, %parallel_loop3A_413 : vector<16xi32>
        %parallel_loop3A_415 = tpu.vector_load_idx %arg12[%parallel_loop3A_414] : memref<28672xf32, #tpu.memory_space<vmem>>[vector<16xi32>], vector<16xf32>,
        %parallel_loop3A_416 = arith.constant 96 : i32
        %parallel_loop3A_417 = vector.broadcast %parallel_loop3A_416 : i32 to vector<16xi32>
        %parallel_loop3A_418 = arith.addi %parallel_loop3A_319, %parallel_loop3A_417 : vector<16xi32>
        %parallel_loop3A_419 = tpu.vector_load_idx %arg12[%parallel_loop3A_418] : memref<28672xf32, #tpu.memory_space<vmem>>[vector<16xi32>], vector<16xf32>,
        %parallel_loop3A_420 = arith.constant 112 : i32
        %parallel_loop3A_421 = vector.broadcast %parallel_loop3A_420 : i32 to vector<16xi32>
        %parallel_loop3A_422 = arith.addi %parallel_loop3A_319, %parallel_loop3A_421 : vector<16xi32>
        %parallel_loop3A_423 = tpu.vector_load_idx %arg12[%parallel_loop3A_422] : memref<28672xf32, #tpu.memory_space<vmem>>[vector<16xi32>], vector<16xf32>,
        %parallel_loop3A_424 = arith.addf %parallel_loop3A_395, %parallel_loop3A_411 : vector<16xf32>
        %parallel_loop3A_425 = arith.mulf %parallel_loop3A_315, %gather3A_121 : vector<16xf32>
        %parallel_loop3A_426 = arith.mulf %parallel_loop3A_317, %gather3A_122 : vector<16xf32>
        %parallel_loop3A_427 = arith.addf %parallel_loop3A_425, %parallel_loop3A_426 : vector<16xf32>
        %parallel_loop3A_428 = arith.addf %parallel_loop3A_424, %parallel_loop3A_427 : vector<16xf32>
        %parallel_loop3A_429 = arith.constant 4 : i32
        %parallel_loop3A_430 = arith.index_cast %rem3A_92 : i32 to index
        %parallel_loop3A_431 = arith.index_cast %parallel_loop3A_429 : i32 to index
        %parallel_loop3A_432 = arith.index_cast %parallel_loop3A_309 : i32 to index
        %parallel_loop3A_433 = tpu.vector_load %arg19[%parallel_loop3A_430, %parallel_loop3A_431, %parallel_loop3A_432] {strides = array<i32>} : memref<2x8x883xf32, #tpu.memory_space<vmem>>, vector<16xf32>,
        tpu.vector_store %arg19[%parallel_loop3A_430, %parallel_loop3A_431, %parallel_loop3A_432], %parallel_loop3A_428 {strides = array<i32>} : memref<2x8x883xf32, #tpu.memory_space<vmem>>, vector<16xf32>,
        %parallel_loop3A_434 = arith.addf %parallel_loop3A_399, %parallel_loop3A_415 : vector<16xf32>
        %parallel_loop3A_435 = arith.mulf %parallel_loop3A_315, %gather3A_126 : vector<16xf32>
        %parallel_loop3A_436 = arith.mulf %parallel_loop3A_317, %gather3A_127 : vector<16xf32>
        %parallel_loop3A_437 = arith.addf %parallel_loop3A_435, %parallel_loop3A_436 : vector<16xf32>
        %parallel_loop3A_438 = arith.addf %parallel_loop3A_434, %parallel_loop3A_437 : vector<16xf32>
        %parallel_loop3A_439 = arith.constant 5 : i32
        %parallel_loop3A_440 = arith.index_cast %rem3A_92 : i32 to index
        %parallel_loop3A_441 = arith.index_cast %parallel_loop3A_439 : i32 to index
        %parallel_loop3A_442 = arith.index_cast %parallel_loop3A_309 : i32 to index
        %parallel_loop3A_443 = tpu.vector_load %arg19[%parallel_loop3A_440, %parallel_loop3A_441, %parallel_loop3A_442] {strides = array<i32>} : memref<2x8x883xf32, #tpu.memory_space<vmem>>, vector<16xf32>,
        tpu.vector_store %arg19[%parallel_loop3A_440, %parallel_loop3A_441, %parallel_loop3A_442], %parallel_loop3A_438 {strides = array<i32>} : memref<2x8x883xf32, #tpu.memory_space<vmem>>, vector<16xf32>,
        %parallel_loop3A_444 = arith.addf %parallel_loop3A_403, %parallel_loop3A_419 : vector<16xf32>
        %parallel_loop3A_445 = arith.mulf %parallel_loop3A_315, %gather3A_131 : vector<16xf32>
        %parallel_loop3A_446 = arith.mulf %parallel_loop3A_317, %gather3A_132 : vector<16xf32>
        %parallel_loop3A_447 = arith.addf %parallel_loop3A_445, %parallel_loop3A_446 : vector<16xf32>
        %parallel_loop3A_448 = arith.addf %parallel_loop3A_444, %parallel_loop3A_447 : vector<16xf32>
        %parallel_loop3A_449 = arith.constant 6 : i32
        %parallel_loop3A_450 = arith.index_cast %rem3A_92 : i32 to index
        %parallel_loop3A_451 = arith.index_cast %parallel_loop3A_449 : i32 to index
        %parallel_loop3A_452 = arith.index_cast %parallel_loop3A_309 : i32 to index
        %parallel_loop3A_453 = tpu.vector_load %arg19[%parallel_loop3A_450, %parallel_loop3A_451, %parallel_loop3A_452] {strides = array<i32>} : memref<2x8x883xf32, #tpu.memory_space<vmem>>, vector<16xf32>,
        tpu.vector_store %arg19[%parallel_loop3A_450, %parallel_loop3A_451, %parallel_loop3A_452], %parallel_loop3A_448 {strides = array<i32>} : memref<2x8x883xf32, #tpu.memory_space<vmem>>, vector<16xf32>,
        %parallel_loop3A_454 = arith.addf %parallel_loop3A_407, %parallel_loop3A_423 : vector<16xf32>
        %parallel_loop3A_455 = arith.mulf %parallel_loop3A_315, %gather3A_136 : vector<16xf32>
        %parallel_loop3A_456 = arith.mulf %parallel_loop3A_317, %gather3A_137 : vector<16xf32>
        %parallel_loop3A_457 = arith.addf %parallel_loop3A_455, %parallel_loop3A_456 : vector<16xf32>
        %parallel_loop3A_458 = arith.addf %parallel_loop3A_454, %parallel_loop3A_457 : vector<16xf32>
        %parallel_loop3A_459 = arith.constant 7 : i32
        %parallel_loop3A_460 = arith.index_cast %rem3A_92 : i32 to index
        %parallel_loop3A_461 = arith.index_cast %parallel_loop3A_459 : i32 to index
        %parallel_loop3A_462 = arith.index_cast %parallel_loop3A_309 : i32 to index
        %parallel_loop3A_463 = tpu.vector_load %arg19[%parallel_loop3A_460, %parallel_loop3A_461, %parallel_loop3A_462] {strides = array<i32>} : memref<2x8x883xf32, #tpu.memory_space<vmem>>, vector<16xf32>,
        tpu.vector_store %arg19[%parallel_loop3A_460, %parallel_loop3A_461, %parallel_loop3A_462], %parallel_loop3A_458 {strides = array<i32>} : memref<2x8x883xf32, #tpu.memory_space<vmem>>, vector<16xf32>,
      } {sc.loop_unroll_factor = 1 : i64, sc.parallel_access}
      %get3A = arith.constant 867 : index
      %get3A_142 = tpu.vector_load %arg15[%get3A] {strides = array<i32>} : memref<896xi32, #tpu.memory_space<vmem>>, vector<16xi32>,
      %get3A_143 = arith.constant 867 : index
      %get3A_144 = tpu.vector_load %arg16[%get3A_143] {strides = array<i32>} : memref<896xi32, #tpu.memory_space<vmem>>, vector<16xi32>,
      %get3A_145 = arith.constant 867 : index
      %get3A_146 = tpu.vector_load %arg17[%get3A_145] {strides = array<i32>} : memref<896xf32, #tpu.memory_space<vmem>>, vector<16xf32>,
      %get3A_147 = arith.constant 867 : index
      %get3A_148 = tpu.vector_load %arg18[%get3A_147] {strides = array<i32>} : memref<896xf32, #tpu.memory_space<vmem>>, vector<16xf32>,
      %add3A_149 = arith.addi %get3A_142, %broadcast_in_dim3A : vector<16xi32>
      %add3A_150 = arith.addi %get3A_144, %add3A_98 : vector<16xi32>
      %add3A_151 = arith.constant 0 : i32
      %add3A_152 = vector.broadcast %add3A_151 : i32 to vector<16xi32>
      %add3A_153 = arith.addi %add3A_149, %add3A_152 : vector<16xi32>
      %gather3A_154 = tpu.vector_load_idx %arg11[%add3A_153] : memref<73728xf32, #tpu.memory_space<vmem>>[vector<16xi32>], vector<16xf32>,
      %add3A_155 = arith.constant 288 : i32
      %add3A_156 = vector.broadcast %add3A_155 : i32 to vector<16xi32>
      %add3A_157 = arith.addi %add3A_149, %add3A_156 : vector<16xi32>
      %gather3A_158 = tpu.vector_load_idx %arg11[%add3A_157] : memref<73728xf32, #tpu.memory_space<vmem>>[vector<16xi32>], vector<16xf32>,
      %add3A_159 = arith.constant 576 : i32
      %add3A_160 = vector.broadcast %add3A_159 : i32 to vector<16xi32>
      %add3A_161 = arith.addi %add3A_149, %add3A_160 : vector<16xi32>
      %gather3A_162 = tpu.vector_load_idx %arg11[%add3A_161] : memref<73728xf32, #tpu.memory_space<vmem>>[vector<16xi32>], vector<16xf32>,
      %add3A_163 = arith.constant 864 : i32
      %add3A_164 = vector.broadcast %add3A_163 : i32 to vector<16xi32>
      %add3A_165 = arith.addi %add3A_149, %add3A_164 : vector<16xi32>
      %gather3A_166 = tpu.vector_load_idx %arg11[%add3A_165] : memref<73728xf32, #tpu.memory_space<vmem>>[vector<16xi32>], vector<16xf32>,
      %add3A_167 = arith.constant 0 : i32
      %add3A_168 = vector.broadcast %add3A_167 : i32 to vector<16xi32>
      %add3A_169 = arith.addi %add3A_150, %add3A_168 : vector<16xi32>
      %gather3A_170 = tpu.vector_load_idx %arg12[%add3A_169] : memref<28672xf32, #tpu.memory_space<vmem>>[vector<16xi32>], vector<16xf32>,
      %add3A_171 = arith.constant 16 : i32
      %add3A_172 = vector.broadcast %add3A_171 : i32 to vector<16xi32>
      %add3A_173 = arith.addi %add3A_150, %add3A_172 : vector<16xi32>
      %gather3A_174 = tpu.vector_load_idx %arg12[%add3A_173] : memref<28672xf32, #tpu.memory_space<vmem>>[vector<16xi32>], vector<16xf32>,
      %add3A_175 = arith.constant 32 : i32
      %add3A_176 = vector.broadcast %add3A_175 : i32 to vector<16xi32>
      %add3A_177 = arith.addi %add3A_150, %add3A_176 : vector<16xi32>
      %gather3A_178 = tpu.vector_load_idx %arg12[%add3A_177] : memref<28672xf32, #tpu.memory_space<vmem>>[vector<16xi32>], vector<16xf32>,
      %add3A_179 = arith.constant 48 : i32
      %add3A_180 = vector.broadcast %add3A_179 : i32 to vector<16xi32>
      %add3A_181 = arith.addi %add3A_150, %add3A_180 : vector<16xi32>
      %gather3A_182 = tpu.vector_load_idx %arg12[%add3A_181] : memref<28672xf32, #tpu.memory_space<vmem>>[vector<16xi32>], vector<16xf32>,
      %add3A_183 = arith.addf %gather3A_154, %gather3A_170 : vector<16xf32>
      %mul3A_184 = arith.mulf %get3A_146, %gather3A : vector<16xf32>
      %mul3A_185 = arith.mulf %get3A_148, %gather3A_102 : vector<16xf32>
      %add3A_186 = arith.addf %mul3A_184, %mul3A_185 : vector<16xf32>
      %add3A_187 = arith.addf %add3A_183, %add3A_186 : vector<16xf32>
      %swap3A = arith.constant 0 : i32
      %swap3A_188 = arith.index_cast %rem3A_92 : i32 to index
      %swap3A_189 = arith.index_cast %swap3A : i32 to index
      %swap3A_190 = arith.constant 867 : index
      %swap3A_191 = tpu.vector_load %arg19[%swap3A_188, %swap3A_189, %swap3A_190] {strides = array<i32>} : memref<2x8x883xf32, #tpu.memory_space<vmem>>, vector<16xf32>,
      tpu.vector_store %arg19[%swap3A_188, %swap3A_189, %swap3A_190], %add3A_187 {strides = array<i32>} : memref<2x8x883xf32, #tpu.memory_space<vmem>>, vector<16xf32>,
      %add3A_192 = arith.addf %gather3A_158, %gather3A_174 : vector<16xf32>
      %mul3A_193 = arith.mulf %get3A_146, %gather3A_106 : vector<16xf32>
      %mul3A_194 = arith.mulf %get3A_148, %gather3A_107 : vector<16xf32>
      %add3A_195 = arith.addf %mul3A_193, %mul3A_194 : vector<16xf32>
      %add3A_196 = arith.addf %add3A_192, %add3A_195 : vector<16xf32>
      %swap3A_197 = arith.constant 1 : i32
      %swap3A_198 = arith.index_cast %rem3A_92 : i32 to index
      %swap3A_199 = arith.index_cast %swap3A_197 : i32 to index
      %swap3A_200 = arith.constant 867 : index
      %swap3A_201 = tpu.vector_load %arg19[%swap3A_198, %swap3A_199, %swap3A_200] {strides = array<i32>} : memref<2x8x883xf32, #tpu.memory_space<vmem>>, vector<16xf32>,
      tpu.vector_store %arg19[%swap3A_198, %swap3A_199, %swap3A_200], %add3A_196 {strides = array<i32>} : memref<2x8x883xf32, #tpu.memory_space<vmem>>, vector<16xf32>,
      %add3A_202 = arith.addf %gather3A_162, %gather3A_178 : vector<16xf32>
      %mul3A_203 = arith.mulf %get3A_146, %gather3A_111 : vector<16xf32>
      %mul3A_204 = arith.mulf %get3A_148, %gather3A_112 : vector<16xf32>
      %add3A_205 = arith.addf %mul3A_203, %mul3A_204 : vector<16xf32>
      %add3A_206 = arith.addf %add3A_202, %add3A_205 : vector<16xf32>
      %swap3A_207 = arith.constant 2 : i32
      %swap3A_208 = arith.index_cast %rem3A_92 : i32 to index
      %swap3A_209 = arith.index_cast %swap3A_207 : i32 to index
      %swap3A_210 = arith.constant 867 : index
      %swap3A_211 = tpu.vector_load %arg19[%swap3A_208, %swap3A_209, %swap3A_210] {strides = array<i32>} : memref<2x8x883xf32, #tpu.memory_space<vmem>>, vector<16xf32>,
      tpu.vector_store %arg19[%swap3A_208, %swap3A_209, %swap3A_210], %add3A_206 {strides = array<i32>} : memref<2x8x883xf32, #tpu.memory_space<vmem>>, vector<16xf32>,
      %add3A_212 = arith.addf %gather3A_166, %gather3A_182 : vector<16xf32>
      %mul3A_213 = arith.mulf %get3A_146, %gather3A_116 : vector<16xf32>
      %mul3A_214 = arith.mulf %get3A_148, %gather3A_117 : vector<16xf32>
      %add3A_215 = arith.addf %mul3A_213, %mul3A_214 : vector<16xf32>
      %add3A_216 = arith.addf %add3A_212, %add3A_215 : vector<16xf32>
      %swap3A_217 = arith.constant 3 : i32
      %swap3A_218 = arith.index_cast %rem3A_92 : i32 to index
      %swap3A_219 = arith.index_cast %swap3A_217 : i32 to index
      %swap3A_220 = arith.constant 867 : index
      %swap3A_221 = tpu.vector_load %arg19[%swap3A_218, %swap3A_219, %swap3A_220] {strides = array<i32>} : memref<2x8x883xf32, #tpu.memory_space<vmem>>, vector<16xf32>,
      tpu.vector_store %arg19[%swap3A_218, %swap3A_219, %swap3A_220], %add3A_216 {strides = array<i32>} : memref<2x8x883xf32, #tpu.memory_space<vmem>>, vector<16xf32>,
      %add3A_222 = arith.constant 1152 : i32
      %add3A_223 = vector.broadcast %add3A_222 : i32 to vector<16xi32>
      %add3A_224 = arith.addi %add3A_149, %add3A_223 : vector<16xi32>
      %gather3A_225 = tpu.vector_load_idx %arg11[%add3A_224] : memref<73728xf32, #tpu.memory_space<vmem>>[vector<16xi32>], vector<16xf32>,
      %add3A_226 = arith.constant 1440 : i32
      %add3A_227 = vector.broadcast %add3A_226 : i32 to vector<16xi32>
      %add3A_228 = arith.addi %add3A_149, %add3A_227 : vector<16xi32>
      %gather3A_229 = tpu.vector_load_idx %arg11[%add3A_228] : memref<73728xf32, #tpu.memory_space<vmem>>[vector<16xi32>], vector<16xf32>,
      %add3A_230 = arith.constant 1728 : i32
      %add3A_231 = vector.broadcast %add3A_230 : i32 to vector<16xi32>
      %add3A_232 = arith.addi %add3A_149, %add3A_231 : vector<16xi32>
      %gather3A_233 = tpu.vector_load_idx %arg11[%add3A_232] : memref<73728xf32, #tpu.memory_space<vmem>>[vector<16xi32>], vector<16xf32>,
      %add3A_234 = arith.constant 2016 : i32
      %add3A_235 = vector.broadcast %add3A_234 : i32 to vector<16xi32>
      %add3A_236 = arith.addi %add3A_149, %add3A_235 : vector<16xi32>
      %gather3A_237 = tpu.vector_load_idx %arg11[%add3A_236] : memref<73728xf32, #tpu.memory_space<vmem>>[vector<16xi32>], vector<16xf32>,
      %add3A_238 = arith.constant 64 : i32
      %add3A_239 = vector.broadcast %add3A_238 : i32 to vector<16xi32>
      %add3A_240 = arith.addi %add3A_150, %add3A_239 : vector<16xi32>
      %gather3A_241 = tpu.vector_load_idx %arg12[%add3A_240] : memref<28672xf32, #tpu.memory_space<vmem>>[vector<16xi32>], vector<16xf32>,
      %add3A_242 = arith.constant 80 : i32
      %add3A_243 = vector.broadcast %add3A_242 : i32 to vector<16xi32>
      %add3A_244 = arith.addi %add3A_150, %add3A_243 : vector<16xi32>
      %gather3A_245 = tpu.vector_load_idx %arg12[%add3A_244] : memref<28672xf32, #tpu.memory_space<vmem>>[vector<16xi32>], vector<16xf32>,
      %add3A_246 = arith.constant 96 : i32
      %add3A_247 = vector.broadcast %add3A_246 : i32 to vector<16xi32>
      %add3A_248 = arith.addi %add3A_150, %add3A_247 : vector<16xi32>
      %gather3A_249 = tpu.vector_load_idx %arg12[%add3A_248] : memref<28672xf32, #tpu.memory_space<vmem>>[vector<16xi32>], vector<16xf32>,
      %add3A_250 = arith.constant 112 : i32
      %add3A_251 = vector.broadcast %add3A_250 : i32 to vector<16xi32>
      %add3A_252 = arith.addi %add3A_150, %add3A_251 : vector<16xi32>
      %gather3A_253 = tpu.vector_load_idx %arg12[%add3A_252] : memref<28672xf32, #tpu.memory_space<vmem>>[vector<16xi32>], vector<16xf32>,
      %add3A_254 = arith.addf %gather3A_225, %gather3A_241 : vector<16xf32>
      %mul3A_255 = arith.mulf %get3A_146, %gather3A_121 : vector<16xf32>
      %mul3A_256 = arith.mulf %get3A_148, %gather3A_122 : vector<16xf32>
      %add3A_257 = arith.addf %mul3A_255, %mul3A_256 : vector<16xf32>
      %add3A_258 = arith.addf %add3A_254, %add3A_257 : vector<16xf32>
      %swap3A_259 = arith.constant 4 : i32
      %swap3A_260 = arith.index_cast %rem3A_92 : i32 to index
      %swap3A_261 = arith.index_cast %swap3A_259 : i32 to index
      %swap3A_262 = arith.constant 867 : index
      %swap3A_263 = tpu.vector_load %arg19[%swap3A_260, %swap3A_261, %swap3A_262] {strides = array<i32>} : memref<2x8x883xf32, #tpu.memory_space<vmem>>, vector<16xf32>,
      tpu.vector_store %arg19[%swap3A_260, %swap3A_261, %swap3A_262], %add3A_258 {strides = array<i32>} : memref<2x8x883xf32, #tpu.memory_space<vmem>>, vector<16xf32>,
      %add3A_264 = arith.addf %gather3A_229, %gather3A_245 : vector<16xf32>
      %mul3A_265 = arith.mulf %get3A_146, %gather3A_126 : vector<16xf32>
      %mul3A_266 = arith.mulf %get3A_148, %gather3A_127 : vector<16xf32>
      %add3A_267 = arith.addf %mul3A_265, %mul3A_266 : vector<16xf32>
      %add3A_268 = arith.addf %add3A_264, %add3A_267 : vector<16xf32>
      %swap3A_269 = arith.constant 5 : i32
      %swap3A_270 = arith.index_cast %rem3A_92 : i32 to index
      %swap3A_271 = arith.index_cast %swap3A_269 : i32 to index
      %swap3A_272 = arith.constant 867 : index
      %swap3A_273 = tpu.vector_load %arg19[%swap3A_270, %swap3A_271, %swap3A_272] {strides = array<i32>} : memref<2x8x883xf32, #tpu.memory_space<vmem>>, vector<16xf32>,
      tpu.vector_store %arg19[%swap3A_270, %swap3A_271, %swap3A_272], %add3A_268 {strides = array<i32>} : memref<2x8x883xf32, #tpu.memory_space<vmem>>, vector<16xf32>,
      %add3A_274 = arith.addf %gather3A_233, %gather3A_249 : vector<16xf32>
      %mul3A_275 = arith.mulf %get3A_146, %gather3A_131 : vector<16xf32>
      %mul3A_276 = arith.mulf %get3A_148, %gather3A_132 : vector<16xf32>
      %add3A_277 = arith.addf %mul3A_275, %mul3A_276 : vector<16xf32>
      %add3A_278 = arith.addf %add3A_274, %add3A_277 : vector<16xf32>
      %swap3A_279 = arith.constant 6 : i32
      %swap3A_280 = arith.index_cast %rem3A_92 : i32 to index
      %swap3A_281 = arith.index_cast %swap3A_279 : i32 to index
      %swap3A_282 = arith.constant 867 : index
      %swap3A_283 = tpu.vector_load %arg19[%swap3A_280, %swap3A_281, %swap3A_282] {strides = array<i32>} : memref<2x8x883xf32, #tpu.memory_space<vmem>>, vector<16xf32>,
      tpu.vector_store %arg19[%swap3A_280, %swap3A_281, %swap3A_282], %add3A_278 {strides = array<i32>} : memref<2x8x883xf32, #tpu.memory_space<vmem>>, vector<16xf32>,
      %add3A_284 = arith.addf %gather3A_237, %gather3A_253 : vector<16xf32>
      %mul3A_285 = arith.mulf %get3A_146, %gather3A_136 : vector<16xf32>
      %mul3A_286 = arith.mulf %get3A_148, %gather3A_137 : vector<16xf32>
      %add3A_287 = arith.addf %mul3A_285, %mul3A_286 : vector<16xf32>
      %add3A_288 = arith.addf %add3A_284, %add3A_287 : vector<16xf32>
      %swap3A_289 = arith.constant 7 : i32
      %swap3A_290 = arith.index_cast %rem3A_92 : i32 to index
      %swap3A_291 = arith.index_cast %swap3A_289 : i32 to index
      %swap3A_292 = arith.constant 867 : index
      %swap3A_293 = tpu.vector_load %arg19[%swap3A_290, %swap3A_291, %swap3A_292] {strides = array<i32>} : memref<2x8x883xf32, #tpu.memory_space<vmem>>, vector<16xf32>,
      tpu.vector_store %arg19[%swap3A_290, %swap3A_291, %swap3A_292], %add3A_288 {strides = array<i32>} : memref<2x8x883xf32, #tpu.memory_space<vmem>>, vector<16xf32>,
      %dma_start3A = arith.constant 0 : i32
      %dma_start3A_294 = arith.constant 0 : i32
      %dma_start3A_295 = tpu.memref_slice %arg19[%rem3A_92, %dma_start3A, %dma_start3A_294] : memref<2x8x883xf32, #tpu.memory_space<vmem>> -> memref<1x8x883xf32, #tpu.memory_space<vmem>>
      %dma_start3A_296 = tpu.memref_squeeze %dma_start3A_295 : memref<1x8x883xf32, #tpu.memory_space<vmem>> -> memref<8x883xf32, #tpu.memory_space<vmem>>
      %dma_start3A_297 = arith.constant 0 : i32
      %dma_start3A_298 = tpu.memref_slice %arg10[%add3A_47, %mul3A_91, %dma_start3A_297] : memref<64x256x883xf32, #tpu.memory_space<hbm>> -> memref<1x8x883xf32, #tpu.memory_space<hbm>>
      %dma_start3A_299 = tpu.memref_squeeze %dma_start3A_298 : memref<1x8x883xf32, #tpu.memory_space<hbm>> -> memref<8x883xf32, #tpu.memory_space<hbm>>
      %dma_start3A_300 = arith.constant 0 : i32
      %dma_start3A_301 = tpu.memref_slice %arg10[%add3A_47, %mul3A_91, %dma_start3A_300] : memref<64x256x883xf32, #tpu.memory_space<hbm>> -> memref<1x8x883xf32, #tpu.memory_space<hbm>>
      %dma_start3A_302 = tpu.memref_squeeze %dma_start3A_301 : memref<1x8x883xf32, #tpu.memory_space<hbm>> -> memref<8x883xf32, #tpu.memory_space<hbm>>
      %dma_start3A_303 = arith.constant 0 : i32
      %dma_start3A_304 = arith.constant 0 : i32
      %dma_start3A_305 = tpu.memref_slice %arg19[%rem3A_92, %dma_start3A_303, %dma_start3A_304] : memref<2x8x883xf32, #tpu.memory_space<vmem>> -> memref<1x8x883xf32, #tpu.memory_space<vmem>>
      %dma_start3A_306 = tpu.memref_squeeze %dma_start3A_305 : memref<1x8x883xf32, #tpu.memory_space<vmem>> -> memref<8x883xf32, #tpu.memory_space<vmem>>
      tpu.enqueue_dma source(%dma_start3A_306 : memref<8x883xf32, #tpu.memory_space<vmem>>) target(%dma_start3A_302 : memref<8x883xf32, #tpu.memory_space<hbm>>) target_semaphore(%arg20 : memref<!tpu.dma_semaphore, #tpu.memory_space<semaphore_mem>>)
    }
    %scan3A_54 = arith.constant 32 : i32
    %dma_wait3A_55 = arith.constant 0 : i32
    %dma_wait3A_56 = arith.constant 0 : i32
    %dma_wait3A_57 = arith.constant 0 : i32
    %dma_wait3A_58 = tpu.memref_slice %arg19[%dma_wait3A_55, %dma_wait3A_56, %dma_wait3A_57] : memref<2x8x883xf32, #tpu.memory_space<vmem>> -> memref<1x8x883xf32, #tpu.memory_space<vmem>>
    %dma_wait3A_59 = tpu.memref_squeeze %dma_wait3A_58 : memref<1x8x883xf32, #tpu.memory_space<vmem>> -> memref<8x883xf32, #tpu.memory_space<vmem>>
    %dma_wait3A_60 = arith.constant 0 : i32
    %dma_wait3A_61 = arith.constant 0 : i32
    %dma_wait3A_62 = tpu.memref_slice %arg10[%add3A_47, %dma_wait3A_60, %dma_wait3A_61] : memref<64x256x883xf32, #tpu.memory_space<hbm>> -> memref<1x8x883xf32, #tpu.memory_space<hbm>>
    %dma_wait3A_63 = tpu.memref_squeeze %dma_wait3A_62 : memref<1x8x883xf32, #tpu.memory_space<hbm>> -> memref<8x883xf32, #tpu.memory_space<hbm>>
    %dma_wait3A_64 = arith.constant 0 : i32
    %dma_wait3A_65 = arith.constant 0 : i32
    %dma_wait3A_66 = tpu.memref_slice %arg10[%add3A_47, %dma_wait3A_64, %dma_wait3A_65] : memref<64x256x883xf32, #tpu.memory_space<hbm>> -> memref<1x8x883xf32, #tpu.memory_space<hbm>>
    %dma_wait3A_67 = tpu.memref_squeeze %dma_wait3A_66 : memref<1x8x883xf32, #tpu.memory_space<hbm>> -> memref<8x883xf32, #tpu.memory_space<hbm>>
    %dma_wait3A_68 = arith.constant 0 : i32
    %dma_wait3A_69 = arith.constant 0 : i32
    %dma_wait3A_70 = tpu.memref_slice %arg19[%dma_wait3A_55, %dma_wait3A_68, %dma_wait3A_69] : memref<2x8x883xf32, #tpu.memory_space<vmem>> -> memref<1x8x883xf32, #tpu.memory_space<vmem>>
    %dma_wait3A_71 = tpu.memref_squeeze %dma_wait3A_70 : memref<1x8x883xf32, #tpu.memory_space<vmem>> -> memref<8x883xf32, #tpu.memory_space<vmem>>
    tpu.wait_dma2 semaphore(%arg20 : memref<!tpu.dma_semaphore, #tpu.memory_space<semaphore_mem>>) src(%dma_wait3A_71 : memref<8x883xf32, #tpu.memory_space<vmem>>) dst(%dma_wait3A_67 : memref<8x883xf32, #tpu.memory_space<hbm>>)
    %dma_wait3A_72 = arith.constant 1 : i32
    %dma_wait3A_73 = arith.constant 0 : i32
    %dma_wait3A_74 = arith.constant 0 : i32
    %dma_wait3A_75 = tpu.memref_slice %arg19[%dma_wait3A_72, %dma_wait3A_73, %dma_wait3A_74] : memref<2x8x883xf32, #tpu.memory_space<vmem>> -> memref<1x8x883xf32, #tpu.memory_space<vmem>>
    %dma_wait3A_76 = tpu.memref_squeeze %dma_wait3A_75 : memref<1x8x883xf32, #tpu.memory_space<vmem>> -> memref<8x883xf32, #tpu.memory_space<vmem>>
    %dma_wait3A_77 = arith.constant 0 : i32
    %dma_wait3A_78 = arith.constant 0 : i32
    %dma_wait3A_79 = tpu.memref_slice %arg10[%add3A_47, %dma_wait3A_77, %dma_wait3A_78] : memref<64x256x883xf32, #tpu.memory_space<hbm>> -> memref<1x8x883xf32, #tpu.memory_space<hbm>>
    %dma_wait3A_80 = tpu.memref_squeeze %dma_wait3A_79 : memref<1x8x883xf32, #tpu.memory_space<hbm>> -> memref<8x883xf32, #tpu.memory_space<hbm>>
    %dma_wait3A_81 = arith.constant 0 : i32
    %dma_wait3A_82 = arith.constant 0 : i32
    %dma_wait3A_83 = tpu.memref_slice %arg10[%add3A_47, %dma_wait3A_81, %dma_wait3A_82] : memref<64x256x883xf32, #tpu.memory_space<hbm>> -> memref<1x8x883xf32, #tpu.memory_space<hbm>>
    %dma_wait3A_84 = tpu.memref_squeeze %dma_wait3A_83 : memref<1x8x883xf32, #tpu.memory_space<hbm>> -> memref<8x883xf32, #tpu.memory_space<hbm>>
    %dma_wait3A_85 = arith.constant 0 : i32
    %dma_wait3A_86 = arith.constant 0 : i32
    %dma_wait3A_87 = tpu.memref_slice %arg19[%dma_wait3A_72, %dma_wait3A_85, %dma_wait3A_86] : memref<2x8x883xf32, #tpu.memory_space<vmem>> -> memref<1x8x883xf32, #tpu.memory_space<vmem>>
    %dma_wait3A_88 = tpu.memref_squeeze %dma_wait3A_87 : memref<1x8x883xf32, #tpu.memory_space<vmem>> -> memref<8x883xf32, #tpu.memory_space<vmem>>
    tpu.wait_dma2 semaphore(%arg20 : memref<!tpu.dma_semaphore, #tpu.memory_space<semaphore_mem>>) src(%dma_wait3A_88 : memref<8x883xf32, #tpu.memory_space<vmem>>) dst(%dma_wait3A_84 : memref<8x883xf32, #tpu.memory_space<hbm>>)
    return
  }
}

module attributes {stable_mosaic.version = 14 : i64} {
  func.func @_prologue_body(%arg0: memref<57344xf32, #tpu.memory_space<vmem>>, %arg1: memref<57344xf32, #tpu.memory_space<vmem>>, %arg2: memref<288x256xf32, #tpu.memory_space<vmem>>, %arg3: memref<57344xi32, #tpu.memory_space<vmem>>, %arg4: memref<57344xi32, #tpu.memory_space<vmem>>, %arg5: memref<57344xf32, #tpu.memory_space<vmem>>, %arg6: memref<57344xf32, #tpu.memory_space<vmem>>, %arg7: memref<256x288xf32, #tpu.memory_space<vmem>>) attributes {dimension_semantics = [], scalar_prefetch = 0 : i64, scratch_operands = 0 : i64, tpu.core_type = #tpu.core_type<tc>} {
    %get3A = arith.constant 0 : index
    %get3A_0 = vector.load %arg0[%get3A] : memref<57344xf32, #tpu.memory_space<vmem>>, vector<57344xf32>
    %get3A_1 = arith.constant 0 : index
    %get3A_2 = vector.load %arg1[%get3A_1] : memref<57344xf32, #tpu.memory_space<vmem>>, vector<57344xf32>
    %mul3A = arith.constant 2.880000e+02 : f32
    %mul3A_3 = vector.broadcast %mul3A : f32 to vector<57344xf32>
    %mul3A_4 = arith.mulf %get3A_0, %mul3A_3 : vector<57344xf32>
    %convert_element_type3A = arith.fptosi %mul3A_4 : vector<57344xf32> to vector<57344xi32>
    %jit3A = arith.constant 0 : i32
    %jit3A_5 = arith.constant 287 : i32
    %max3A = vector.broadcast %jit3A : i32 to vector<57344xi32>
    %max3A_6 = arith.maxsi %max3A, %convert_element_type3A : vector<57344xi32>
    %min3A = vector.broadcast %jit3A_5 : i32 to vector<57344xi32>
    %min3A_7 = arith.minsi %min3A, %max3A_6 : vector<57344xi32>
    %swap3A = arith.constant 0 : index
    %swap3A_8 = vector.load %arg3[%swap3A] : memref<57344xi32, #tpu.memory_space<vmem>>, vector<57344xi32>
    tpu.vector_store %arg3[%swap3A], %min3A_7 {strides = array<i32>} : memref<57344xi32, #tpu.memory_space<vmem>>, vector<57344xi32>,
    %convert_element_type3A_9 = arith.fptosi %get3A_2 : vector<57344xf32> to vector<57344xi32>
    %jit3A_10 = arith.constant 0 : i32
    %jit3A_11 = arith.constant 6 : i32
    %max3A_12 = vector.broadcast %jit3A_10 : i32 to vector<57344xi32>
    %max3A_13 = arith.maxsi %max3A_12, %convert_element_type3A_9 : vector<57344xi32>
    %min3A_14 = vector.broadcast %jit3A_11 : i32 to vector<57344xi32>
    %min3A_15 = arith.minsi %min3A_14, %max3A_13 : vector<57344xi32>
    %mul3A_16 = arith.constant 4096 : i32
    %mul3A_17 = vector.broadcast %mul3A_16 : i32 to vector<57344xi32>
    %mul3A_18 = arith.muli %min3A_15, %mul3A_17 : vector<57344xi32>
    %swap3A_19 = arith.constant 0 : index
    %swap3A_20 = vector.load %arg4[%swap3A_19] : memref<57344xi32, #tpu.memory_space<vmem>>, vector<57344xi32>
    tpu.vector_store %arg4[%swap3A_19], %mul3A_18 {strides = array<i32>} : memref<57344xi32, #tpu.memory_space<vmem>>, vector<57344xi32>,
    %mul3A_21 = arith.constant 0.021816615 : f32
    %mul3A_22 = vector.broadcast %mul3A_21 : f32 to vector<57344xf32>
    %mul3A_23 = arith.mulf %get3A_0, %mul3A_22 : vector<57344xf32>
    %mul3A_24 = arith.constant 0.897597908 : f32
    %mul3A_25 = vector.broadcast %mul3A_24 : f32 to vector<57344xf32>
    %mul3A_26 = arith.mulf %get3A_2, %mul3A_25 : vector<57344xf32>
    %sin3A = math.sin %mul3A_23 : vector<57344xf32>
    %cos3A = math.cos %mul3A_23 : vector<57344xf32>
    %add3A = arith.addf %sin3A, %cos3A : vector<57344xf32>
    %swap3A_27 = arith.constant 0 : index
    %swap3A_28 = vector.load %arg5[%swap3A_27] : memref<57344xf32, #tpu.memory_space<vmem>>, vector<57344xf32>
    tpu.vector_store %arg5[%swap3A_27], %add3A {strides = array<i32>} : memref<57344xf32, #tpu.memory_space<vmem>>, vector<57344xf32>,
    %sin3A_29 = math.sin %mul3A_26 : vector<57344xf32>
    %cos3A_30 = math.cos %mul3A_26 : vector<57344xf32>
    %add3A_31 = arith.addf %sin3A_29, %cos3A_30 : vector<57344xf32>
    %swap3A_32 = arith.constant 0 : index
    %swap3A_33 = vector.load %arg6[%swap3A_32] : memref<57344xf32, #tpu.memory_space<vmem>>, vector<57344xf32>
    tpu.vector_store %arg6[%swap3A_32], %add3A_31 {strides = array<i32>} : memref<57344xf32, #tpu.memory_space<vmem>>, vector<57344xf32>,
    %get3A_34 = arith.constant 0 : index
    %get3A_35 = arith.constant 0 : index
    %get3A_36 = vector.load %arg2[%get3A_34, %get3A_35] : memref<288x256xf32, #tpu.memory_space<vmem>>, vector<288x256xf32>
    %transpose3A = tpu.transpose %get3A_36, [1, 0] : vector<288x256xf32> -> vector<256x288xf32>
    %swap3A_37 = arith.constant 0 : index
    %swap3A_38 = arith.constant 0 : index
    %swap3A_39 = vector.load %arg7[%swap3A_37, %swap3A_38] : memref<256x288xf32, #tpu.memory_space<vmem>>, vector<256x288xf32>
    tpu.vector_store %arg7[%swap3A_37, %swap3A_38], %transpose3A {strides = array<i32>} : memref<256x288xf32, #tpu.memory_space<vmem>>, vector<256x288xf32>,
    return
  }
}

</mosaic_0001>

<sc_bundles>
// kernel: kernel.4.cloned.1.call-start
scs
__scs_entry_jumppad:
0x0: {  	(pc) =	sbr.rel $0x88, $3  }
0x1: {  	(tag) =	ssettag $0x0;
	lr =	simm.s32 $0x1  }
0x2: {  	[smem:$0x3F9A] =	sst lr;
	_ =	strace $0xD0000000  }
0x3: {  	_ = 	snop  }
0x4: {  	_ = 	snop  }
0x5: {  	_ = 	snop  }
0x6: {  	_ = 	snop  }
0x7: {  	_ = 	snop  }
__scs_overlays_trampoline_lowered:
0x8: {  	[smem:$0x3FA9] =	sst s0  }
0x9: {  	[smem:$0x3FAA] =	sst s1  }
0xa: {  	[smem:$0x3FAB] =	sst s2  }
0xb: {  	[smem:$0x3FAC] =	sst s3  }
0xc: {  	[smem:$0x3FAD] =	sst s4  }
0xd: {  	[smem:$0x3FAE] =	sst s5  }
0xe: {  	[smem:$0x3FAF] =	sst s6  }
0xf: {  	[smem:$0x3FB0] =	sst s7  }
0x10: {  	[smem:$0x3FB1] =	sst s8  }
0x11: {  	[smem:$0x3FB2] =	sst s9;
	s0 =	simm.s32 @!p0 $0x0  }
0x12: {  	s1 =	sld [smem:$0x3F98];
	s0 =	simm.s32 @p0 $0x1  }
0x13: {  	[smem:$0x3FB3] =	sst s0;
	s0 =	simm.s32 @!p1 $0x0  }
0x14: {  	s2 =	sld [smem:$0x3F97];
	s0 =	simm.s32 @p1 $0x1  }
0x15: {  	[smem:$0x3FB4] =	sst s0;
	s0 =	simm.s32 @!p2 $0x0  }
0x16: {  	s3 =	sld [smem:$0x3FDB];
	s0 =	simm.s32 @p2 $0x1  }
0x17: {  	s4 =	simm.s32 $0x1BF5;
	[smem:$0x3FB6] =	sst s0  }
0x18: {  	s0 =	sld [smem:$0x3F99];
	_ =	swait.ge [sflag:s4], $0x0  }
0x19: {  	s7 =	sld [smem:$0x3F9A]  }
0x1a: {  	s8 =	sadd.s32 $0xFFFFE003, lr  }
0x1b: {  	s9 =	sadd.s32 $0xFFFFFEF7, lr;
	s5 =	simm.s32 $0xFFFFFFFF;
	p2 =	slt.u32 s8, $0xFFFFF086  }
0x1c: {  	p1 =	slt.u32 s9, $0xF7A;
	s5 =	simm.s32 @!p2 $0x0  }
0x1d: {  	s5 =	simm.s32 @p1 $0x1;
	p0 =	seq.s32 s7, s2  }
0x1e: {  	s7 =	smul.u32 @!p0 $0xF7A, s2;
	p2 =	seq.s32 @!p0 s5, $0x0  }
0x1f: {  	s9 =	smul.u32 $0xF7A, s1;
	s8 =	simm.s32 @!p0 $0x1BF5;
	p2 =	por !p2, p0  }
0x20: {  	[sflag:s8] =	ssyncset.s32 @!p0 $0xFFFFF086;
	s6 =	sadd.s32 @!p0 s3, s7;
	s7 =	simm.s32 @!p0 $0x108  }
0x21: {  	s3 =	sadd.s32 s3, s9;
	s6 =	sadd.s32 @!p0 $0x88, s6;
	s7 =	simm.s32 @p2 $0x1082  }
0x22: {  	[simem:s7], [sflag:s8] =	dma.local @!p0 [hbm:s6], $0xF7A  }
0x23: {  	s9 =	sor.u32 $0xD0000000, s2;
	s6 =	simm.s32 $0x108;
	_ =	swait.ge @!p0 [sflag:s8], $0x0  }
0x24: {  	s3 =	sadd.s32 $0x88, s3;
	s6 =	simm.s32 @!p1 $0x1082;
	[sflag:s4] =	ssyncset.s32 $0xFFFFF086  }
0x25: {  	[simem:s6], [sflag:s4] =	dma.local [hbm:s3], $0xF7A  }
0x26: {  	[smem:$0x3F9A] =	sst s1;
	(tag) =	ssettag s2;
	_ =	strace s9  }
0x27: {  	s1 =	sld [smem:$0x3FAA]  }
0x28: {  	s2 =	sld [smem:$0x3FAB]  }
0x29: {  	s4 =	sld [smem:$0x3FAD]  }
0x2a: {  	p0 =	seq.s32 s5, $0x0;
	s5 =	sld [smem:$0x3FAE]  }
0x2b: {  	s6 =	sld [smem:$0x3FAF]  }
0x2c: {  	s7 =	sld [smem:$0x3FB0]  }
0x2d: {  	s3 =	simm.s32 $0x108;
	s8 =	sld [smem:$0x3FB1]  }
0x2e: {  	s3 =	simm.s32 @!p0 $0x1082;
	s9 =	sld [smem:$0x3FB2]  }
0x2f: {  	lr =	sadd.s32 s0, s3;
	s0 =	sld [smem:$0x3FA9]  }
0x30: {  	s3 =	sld [smem:$0x3FAC]  }
0x31: {  	[smem:$0x3FB5] =	sst s10  }
0x32: {  	s10 =	sld [smem:$0x3FB3];
	_ =	sdelay $0x3  }
0x33: {  	p0 =	seq.s32 s10, $0x1;
	s10 =	sld [smem:$0x3FB5];
	_ =	sdelay $0x3  }
0x34: {  	[smem:$0x3FB5] =	sst s10  }
0x35: {  	s10 =	sld [smem:$0x3FB4];
	_ =	sdelay $0x3  }
0x36: {  	p1 =	seq.s32 s10, $0x1;
	s10 =	sld [smem:$0x3FB5];
	_ =	sdelay $0x3  }
0x37: {  	[smem:$0x3FB5] =	sst s10  }
0x38: {  	s10 =	sld [smem:$0x3FB6]  }
0x39: {  	_ = 	snop;
	(pc) =	sbr.ind lr, $3  }
0x3a: {  	_ = 	snop  }
0x3b: {  	_ = 	snop  }
0x3c: {  	p2 =	seq.s32 s10, $0x1;
	s10 =	sld [smem:$0x3FB5]  }
0x3d: {  	_ =	shalt  }
0x3e: {  	_ =	shalt  }
0x3f: {  	_ =	shalt  }
0x40: {  	_ =	shalt  }
0x41: {  	_ =	shalt  }
0x42: {  	_ =	shalt  }
0x43: {  	_ =	shalt  }
0x44: {  	_ =	shalt  }
0x45: {  	_ =	shalt  }
0x46: {  	_ =	shalt  }
0x47: {  	_ =	shalt  }
0x48: {  	_ =	shalt  }
0x49: {  	_ =	shalt  }
0x4a: {  	_ =	shalt  }
0x4b: {  	_ =	shalt  }
0x4c: {  	_ =	shalt  }
0x4d: {  	_ =	shalt  }
0x4e: {  	_ =	shalt  }
0x4f: {  	_ =	shalt  }
0x50: {  	_ =	shalt  }
0x51: {  	_ =	shalt  }
0x52: {  	_ =	shalt  }
0x53: {  	_ =	shalt  }
0x54: {  	_ =	shalt  }
0x55: {  	_ =	shalt  }
0x56: {  	_ =	shalt  }
0x57: {  	_ =	shalt  }
0x58: {  	_ =	shalt  }
0x59: {  	_ =	shalt  }
0x5a: {  	_ =	shalt  }
0x5b: {  	_ =	shalt  }
0x5c: {  	_ =	shalt  }
0x5d: {  	_ =	shalt  }
0x5e: {  	_ =	shalt  }
0x5f: {  	_ =	shalt  }
0x60: {  	_ =	shalt  }
0x61: {  	_ =	shalt  }
0x62: {  	_ =	shalt  }
0x63: {  	_ =	shalt  }
0x64: {  	_ =	shalt  }
0x65: {  	_ =	shalt  }
0x66: {  	_ =	shalt  }
0x67: {  	_ =	shalt  }
0x68: {  	_ =	shalt  }
0x69: {  	_ =	shalt  }
0x6a: {  	_ =	shalt  }
0x6b: {  	_ =	shalt  }
0x6c: {  	_ =	shalt  }
0x6d: {  	_ =	shalt  }
0x6e: {  	_ =	shalt  }
0x6f: {  	_ =	shalt  }
0x70: {  	_ =	shalt  }
0x71: {  	_ =	shalt  }
0x72: {  	_ =	shalt  }
0x73: {  	_ =	shalt  }
0x74: {  	_ =	shalt  }
0x75: {  	_ =	shalt  }
0x76: {  	_ =	shalt  }
0x77: {  	_ =	shalt  }
0x78: {  	_ =	shalt  }
0x79: {  	_ =	shalt  }
0x7a: {  	_ =	shalt  }
0x7b: {  	_ =	shalt  }
0x7c: {  	_ =	shalt  }
0x7d: {  	_ =	shalt  }
0x7e: {  	_ =	shalt  }
0x7f: {  	_ =	shalt  }
0x80: {  	_ =	shalt  }
0x81: {  	_ =	shalt  }
0x82: {  	_ =	shalt  }
0x83: {  	_ =	shalt  }
0x84: {  	_ =	shalt  }
0x85: {  	_ =	shalt  }
0x86: {  	_ =	shalt  }
0x87: {  	_ =	shalt  }
.Lfunc_end0:
.L_simem_size_0:
called_computation.1_lowered:
.L_overlay_start_0:
0x88: {  	s2 =	sld [smem:$0x3FD9]  }
0x89: {  	s3 =	sld [smem:$0x3FFE];
	_ =	sdelay $0x1  }
0x8a: {  	s1 =	srdreg.scid  }
0x8b: {  	s0 =	sand.u32 $0x1, s1  }
0x8c: {  	s17 =	sshll.u32 s0, $0xA;
	s2 =	sadd.s32 s3, s2  }
0x8d: {  	s2 =	sadd.s32 s2, s17  }
0x8e: {  	[smem:$0x3FC1] =	sst s2  }
0x8f: {  	_ = 	snop  }
0x90: {  	s2 =	sld [smem:$0x3FD0];
	(tm) =	ssettm $0x1  }
0x91: {  	s18 =	sld [smem:$0x3FFB];
	_ =	sdelay $0x3  }
0x92: {  	_ =	strace s18  }
0x93: {  	s3 =	sld [smem:$0x3FFC];
	_ =	sdelay $0x3  }
0x94: {  	_ =	strace s3  }
0x95: {  	s3 =	sld [smem:$0x3FFD];
	_ =	sdelay $0x3  }
0x96: {  	_ =	strace s3  }
0x97: {  	_ =	strace $0x8FFFFFFF  }
0x98: {  	s19 =	sld [smem:$0x3FDB];
	_ =	sdelay $0x1  }
0x99: {  	s4 =	simm.s32 $_scs_section_size  }
0x9a: {  	s5 =	simm.s32 $_size__tile_overlayer_lowered;
	s6 =	simm.s32 $_tile_overlayer_lowered  }
0x9b: {  	s22 =	simm.s32 $0x1BFF;
	s21 =	sshll.u32 s6, $0x1;
	s3 =	sadd.s32 s4, s19  }
0x9c: {  	s7 =	simm.s32 $0x0;
	s20 =	sshll.u32 s5, $0x1;
	s5 =	sadd.s32 s21, s3  }
0x9d: {  	[timem:s7], [sflag:s22] =	dma.local [hbm:s5], s20  }
0x9e: {  	_ =	swait.ge [sflag:s22], s20  }
0x9f: {  	s4 =	ssub.s32 $0x0, s20;
	[sflag:s22] =	ssyncset.done $0x0  }
0xa0: {  	[sflag:s22] =	ssyncadd.s32 s4;
	_ =	sdelay $0x1  }
0xa1: {  	s23 =	simm.s32 $0x1B8B  }
0xa2: {  	_ =	swait.ge [sflag:s23], $0x1  }
0xa3: {  	[sflag:s23] =	ssyncset.done $0x0  }
0xa4: {  	s25 =	simm.s32 $0x1B8E;
	s24 =	sld [smem:$0x3FFE];
	[sflag:s23] =	ssyncadd.s32 $0xFFFFFFFF  }
0xa5: {  	s26 =	simm.s32 $execute0_lowered;
	[smem:$0x3FD2] =	sst s25  }
0xa6: {  	s5 =	sshll.u32 s26, $0x1;
	_ =	strace $0x80000046;
	[dreg:$0x1] =	wrdreg $0xFFFFFFFF  }
0xa7: {  	s28 =	simm.s32 $_size_execute0_lowered;
	s3 =	sadd.s32 s3, s5;
	[dreg:$0x0] =	wrdreg $0x0  }
0xa8: {  	s5 =	sshll.u32 s28, $0x1;
	[dreg:$0x2] =	wrdreg s3  }
0xa9: {  	[dreg:$0x3] =	wrdreg s5  }
0xaa: {  	[dreg:$0x4] =	wrdreg $0xC0  }
0xab: {  	_ =	task [dreg:s7], $0x5FFFF  }
0xac: {  	[dreg:$0x1] =	wrdreg $0xFFFFFFFF  }
0xad: {  	[dreg:$0x0] =	wrdreg $0x60  }
0xae: {  	[dreg:$0x2] =	wrdreg s2  }
0xaf: {  	[dreg:$0x3] =	wrdreg s24  }
0xb0: {  	[dreg:$0x4] =	wrdreg $0x9  }
0xb1: {  	_ =	task.clear_ibuf [dreg:s7], $0x5FFFF;
	_ =	strace $0x90000046  }
0xb2: {  	s29 =	simm.s32 $0x9;
	_ =	strace $0x80000048  }
0xb3: {  	_ =	swait.ge [sflag:s29], $0x1  }
0xb4: {  	[sflag:s29] =	ssyncadd.s32 $0xFFFFFFFF  }
0xb5: {  	_ =	strace $0x90000048  }
0xb6: {  	_ =	sfence  }
0xb7: {  	s30 =	sld [smem:$0x0];
	_ =	sdelay $0x2  }
0xb8: {  	s31 =	sshll.u32 s1, $0xD;
	s1 =	sshrl.u32 s1, $0x2  }
0xb9: {  	s3 =	sand.u32 $0x4000, s31;
	s1 =	sadd.s32 s1, s30  }
0xba: {  	s0 =	sor.u32 s3, s0;
	s1 =	sshll.u32 s1, $0x11  }
0xbb: {  	s0 =	sor.u32 s1, s0  }
0xbc: {  	s0 =	sadd.s32 $0x8F2B, s0  }
0xbd: {  	[sflag:s0] =	ssyncadd.remote.s32 $0x1  }
0xbe: {  	_ =	sfence.sel $0xFFFF  }
0xbf: {  	[dreg:$0x0] =	wrdreg $0xFFFFFFFF;
	(pc) =	sbr.abs _section_cstart, $3  }
0xc0: {  	[dreg:$0x1] =	wrdreg $0xFFFFFFFF  }
0xc1: {  	_ =	task.clear_ibuf [dreg:s7], $0x2FFFF;
	_ =	strace $0x9FFFFFFF  }
0xc2: {  	(tm) =	ssettm $0x7FFFFFFF  }
0xc3: {  	_ =	shalt  }
tec
execute0_lowered:
.L_overlay_start_1:
0x0: {  	(tag) =	ssettag $0x1  }
0x1: {  	s0 =	rddreg [dreg:$0x1]  }
0x2: {  	s2 =	simm.s32 $0x0;
	s4 =	srdreg.scid;
	s6 =	stileid.u32  }
0x3: {  	s11 =	simm.s32 $0x1B000;
	s28 =	simm.s32 $0x1;
	s29 =	simm.s32 $0x0  }
0x4: {  	[smem:$0x7FF] =	sst s2;
	s1 =	sadd.s32 $0x8A00, s0;
	s19 =	sadd.s32 $0x1600, s0  }
0x5: {  	s20 =	sadd.s32 $0x1800, s0;
	s21 =	sadd.s32 $0x1A00, s0;
	s3 =	sadd.s32 $0x3600, s0  }
0x6: {  	s5 =	sadd.s32 $0x5200, s0;
	s4 =	sand.u32 $0x1, s4;
	s6 =	sshll.u32 s6, $0x1  }
0x7: {  	s8 =	sadd.s32 $0x6E00, s0;
	_ =	strace $0x80000047;
	[dreg:$0x3] =	wrdreg s1  }
0x8: {  	[dreg:$0x4] =	wrdreg s19;
	s9 =	ssub.s32 $0x2, s4;
	s4 =	sor.u32 s4, s6  }
0x9: {  	s7 =	sadd.s32 $0x9800, s0;
	[dreg:$0x5] =	wrdreg s20;
	s10 =	smul.u32 $0xE0, s4  }
0xa: {  	s19 =	simm.s32 $0x2;
	s20 =	simm.s32 $0x12000;
	s22 =	sshrl.u32 s9, $0x1  }
0xb: {  	s17 =	sshllo.u32 s4, $0x1;
	s12 =	smul.u32 $0x70000, s4;
	s25 =	sadd.s32 s21, s10  }
0xc: {  	v4 =	vlaneseq.u32;
	s23 =	ssub.s32 s9, s22;
	s26 =	sadd.s32 s3, s10;
	[dreg:$0x6] =	wrdreg s25  }
0xd: {  	v0 =	vor.u32 $0x10, v4;
	s24 =	smul.u32 $0x70, s17;
	s30 =	sadd.s32 s5, s10;
	[dreg:$0x7] =	wrdreg s26  }
0xe: {  	v61 =	vor.u32 $0x20, v4;
	[tilespmem:$0x1FFC0] =	vst v0;
	s17 =	smul.u32 $0x38000, s17;
	s31 =	sadd.s32 s8, s10;
	[dreg:$0x8] =	wrdreg s30  }
0xf: {  	v62 =	vor.u32 $0x30, v4;
	[tilespmem:$0x1FFD0] =	vst v61;
	s22 =	simm.s32 $0x1A000;
	s18 =	smax.u32 s23, $0x1;
	[dreg:$0x9] =	wrdreg s31  }
0x10: {  	v63 =	vor.u32 $0x40, v4;
	[tilespmem:$0x1FFE0] =	vst v62;
	s13 =	sadd.s32 s21, s24;
	s14 =	sadd.s32 s3, s24;
	s15 =	sadd.s32 s5, s24  }
0x11: {  	v5 =	vor.u32 $0x50, v4;
	v6 =	vor.u32 $0x60, v4;
	v7 =	vor.u32 $0x70, v4;
	[tilespmem:$0x1FFF0] =	vst v63;
	s16 =	sadd.s32 s8, s24;
	s21 =	simm.s32 $0x19000;
	s26 =	simm.s32 $0x1BA80  }
.LBB2_1:
0x12: {  	s0 =	rddreg [dreg:$0x0]  }
0x13: {  	[tilespmem:s2], [sflag:$0x2] =	stream.linear.gather [hbm4b:s0+s2], $0x12000, $0x38;
	[tilespmem:$0x1F600] =	vst v63  }
0x14: {  	_ =	swait.ge [sflag:s19], $0x12000  }
0x15: {  	[sflag:s19] =	ssyncset.done $0x0  }
0x16: {  	s6 =	rddreg [dreg:$0x3];
	[sflag:s19] =	ssyncadd.s32 $0xFFFEE000  }
0x17: {  	[tilespmem:s20], [sflag:$0x2] =	stream.linear.gather [hbm4b:s6+s2], $0x7000, $0x38;
	[tilespmem:$0x1F600] =	vst v63  }
0x18: {  	_ =	swait.ge [sflag:s19], $0x7000  }
0x19: {  	[sflag:s19] =	ssyncset.done $0x0  }
0x1a: {  	s8 =	rddreg [dreg:$0x4];
	[sflag:s19] =	ssyncadd.s32 $0xFFFF9000  }
0x1b: {  	[tilespmem:s21], [sflag:$0x2] =	stream.linear.gather [hbm4b:s8+s2], $0x1000, $0x38;
	[tilespmem:$0x1F600] =	vst v63  }
0x1c: {  	_ =	swait.ge [sflag:s19], $0x1000  }
0x1d: {  	[sflag:s19] =	ssyncset.done $0x0  }
0x1e: {  	s9 =	rddreg [dreg:$0x5];
	[sflag:s19] =	ssyncadd.s32 $0xFFFFF000  }
0x1f: {  	[tilespmem:s22], [sflag:$0x2] =	stream.linear.gather [hbm4b:s9+s2], $0x1000, $0x38;
	[tilespmem:$0x1F600] =	vst v63  }
0x20: {  	_ =	swait.ge [sflag:s19], $0x1000  }
0x21: {  	[sflag:s19] =	ssyncset.done $0x0  }
0x22: {  	s10 =	rddreg [dreg:$0x6];
	[sflag:s19] =	ssyncadd.s32 $0xFFFFF000  }
0x23: {  	[tilespmem:s11], [sflag:$0x2] =	stream.linear.gather [hbm4b:s10+s2], $0x380, $0x38;
	[tilespmem:$0x1F600] =	vst v63  }
0x24: {  	_ =	swait.ge [sflag:s19], $0x380  }
0x25: {  	[sflag:s19] =	ssyncset.done $0x0  }
0x26: {  	s1 =	simm.s32 $0x1B380;
	s23 =	rddreg [dreg:$0x7];
	[sflag:s19] =	ssyncadd.s32 $0xFFFFFC80  }
0x27: {  	[tilespmem:s1], [sflag:$0x2] =	stream.linear.gather [hbm4b:s23+s2], $0x380, $0x38;
	[tilespmem:$0x1F600] =	vst v63  }
0x28: {  	_ =	swait.ge [sflag:s19], $0x380  }
0x29: {  	[sflag:s19] =	ssyncset.done $0x0  }
0x2a: {  	s25 =	simm.s32 $0x1B700;
	s24 =	rddreg [dreg:$0x8];
	[sflag:s19] =	ssyncadd.s32 $0xFFFFFC80  }
0x2b: {  	[tilespmem:s25], [sflag:$0x2] =	stream.linear.gather [hbm4b:s24+s2], $0x380, $0x38;
	[tilespmem:$0x1F600] =	vst v63  }
0x2c: {  	_ =	swait.ge [sflag:s19], $0x380  }
0x2d: {  	[sflag:s19] =	ssyncset.done $0x0  }
0x2e: {  	s31 =	rddreg [dreg:$0x9];
	[sflag:s19] =	ssyncadd.s32 $0xFFFFFC80  }
0x2f: {  	[tilespmem:s26], [sflag:$0x2] =	stream.linear.gather [hbm4b:s31+s2], $0x380, $0x38;
	[tilespmem:$0x1F600] =	vst v63  }
0x30: {  	_ =	swait.ge [sflag:s19], $0x380  }
0x31: {  	[sflag:s19] =	ssyncset.done $0x0  }
0x32: {  	s30 =	simm.s32 $0x0;
	[sflag:s19] =	ssyncadd.s32 $0xFFFFFC80  }
.LBB2_2:
0x33: {  	v0 =	vld [tilespmem:$0x1FFC0];
	_ =	sdelay $0x1  }
0x34: {  	s0 =	sshll.u32 s30, $0x7;
	v57 =	vld [tilespmem:$0x1FFD0]  }
0x35: {  	v24 =	vor.u32 s0, v4  }
0x36: {  	v58 =	vld [tilespmem:$0x1FFE0]  }
0x37: {  	v8 =	vor.u32 s0, v0  }
0x38: {  	v59 =	vld [tilespmem:$0x1FFF0]  }
0x39: {  	v9 =	vor.u32 s0, v57  }
0x3a: {  	v20 =	vld.idx.msk [tilespmem:v24+s21+$0x0], $0xffff  }
0x3b: {  	v10 =	vor.u32 s0, v58;
	v21 =	vld.idx.msk [tilespmem:v24+s22+$0x0], $0xffff  }
0x3c: {  	v22 =	vld.idx.msk [tilespmem:v8+s21+$0x0], $0xffff  }
0x3d: {  	v23 =	vld.idx.msk [tilespmem:v8+s22+$0x0], $0xffff;
	v8 =	vor.u32 s0, v59  }
0x3e: {  	v17 =	vld.idx.msk [tilespmem:v9+s21+$0x0], $0xffff  }
0x3f: {  	v16 =	vld.idx.msk [tilespmem:v9+s22+$0x0], $0xffff;
	v9 =	vor.u32 s0, v5  }
0x40: {  	v18 =	vld.idx.msk [tilespmem:v10+s21+$0x0], $0xffff  }
0x41: {  	v19 =	vld.idx.msk [tilespmem:v10+s22+$0x0], $0xffff;
	v10 =	vor.u32 s0, v6  }
0x42: {  	v12 =	vld.idx.msk [tilespmem:v8+s21+$0x0], $0xffff  }
0x43: {  	v11 =	vor.u32 s0, v7;
	v13 =	vld.idx.msk [tilespmem:v8+s22+$0x0], $0xffff  }
0x44: {  	v14 =	vld.idx.msk [tilespmem:v9+s21+$0x0], $0xffff  }
0x45: {  	v15 =	vld.idx.msk [tilespmem:v9+s22+$0x0], $0xffff  }
0x46: {  	v9 =	vld.idx.msk [tilespmem:v10+s21+$0x0], $0xffff  }
0x47: {  	p0 =	slt.u32 s30, $0x2;
	v10 =	vld.idx.msk [tilespmem:v10+s22+$0x0], $0xffff  }
0x48: {  	s0 =	simm.s32 @!p0 $0x1;
	v8 =	vld.idx.msk [tilespmem:v11+s21+$0x0], $0xffff  }
0x49: {  	v11 =	vld.idx.msk [tilespmem:v11+s22+$0x0], $0xffff;
	_ =	swait.ge @!p0 [sflag:s0], $0x1C00  }
0x4a: {  	[sflag:s0] =	ssyncset.done @!p0 $0x0  }
0x4b: {  	s3 =	simm.s32 $0x1B380;
	[sflag:s0] =	ssyncadd.s32 @!p0 $0xFFFFE400  }
0x4c: {  	s1 =	simm.s32 $0x1B000;
	v26 =	vld [tilespmem:s3+$0x0]  }
0x4d: {  	v27 =	vld [tilespmem:s1+$0x0];
	_ =	sdelay $0x1  }
0x4e: {  	s4 =	smul.u32 $0x900, s30;
	_ =	sdelay $0x1  }
0x4f: {  	s5 =	simm.s32 $0x1BA80;
	v25 =	vmov s4;
	v30 =	vadd.s32 v24, v26  }
0x50: {  	s6 =	simm.s32 $0x1B700;
	v31 =	vld [tilespmem:s5+$0x0];
	v28 =	vadd.s32 v25, v27;
	v26 =	vadd.s32 $0x10, v30  }
0x51: {  	s8 =	simm.s32 $0x1B390;
	v32 =	vld [tilespmem:s6+$0x0];
	v29 =	vadd.s32 $0x120, v28  }
0x52: {  	s9 =	simm.s32 $0x1B010;
	v36 =	vld [tilespmem:s8+$0x0]  }
0x53: {  	s24 =	simm.s32 $0x1B710;
	v37 =	vld [tilespmem:s9+$0x0]  }
0x54: {  	v54 =	vld [tilespmem:s24+$0x0];
	v33 =	vadd.s32 $0x30, v30  }
0x55: {  	v34 =	vadd.s32 $0x20, v30;
	v26 =	vld.idx.msk [tilespmem:v26+s20+$0x0], $0xffff  }
0x56: {  	v27 =	vand.u32 $0x7F, v27;
	v35 =	vadd.s32 $0x240, v28;
	v29 =	vld.idx.msk [tilespmem:v29+s2+$0x0], $0xffff  }
0x57: {  	v41 =	vmul.f32 v32, v22;
	v42 =	vmul.f32 v32, v18;
	v38 =	vadd.s32 $0x360, v28;
	v40 =	vld.idx.msk [tilespmem:v30+s20+$0x0], $0xffff  }
0x58: {  	v60 =	vmul.f32 v32, v20;
	v43 =	vmul.f32 v31, v23;
	v39 =	vand.u32 $0xFFFFFF80, v28;
	v50 =	vld.idx.msk [tilespmem:v28+s2+$0x0], $0xffff  }
0x59: {  	v45 =	vmul.f32 v32, v14;
	v47 =	vmul.f32 v32, v12;
	v27 =	vor.u32 v27, v39;
	v33 =	vld.idx.msk [tilespmem:v33+s20+$0x0], $0xffff  }
0x5a: {  	v48 =	vmul.f32 v32, v8;
	v51 =	vmul.f32 v32, v9;
	v44 =	vadd.s32 $0x480, v27;
	v34 =	vld.idx.msk [tilespmem:v34+s20+$0x0], $0xffff  }
0x5b: {  	v27 =	vmul.f32 v31, v21;
	v35 =	vld.idx.msk [tilespmem:v35+s2+$0x0], $0xffff;
	v46 =	vadd.f32 v26, v29;
	v26 =	vadd.s32 v24, v36  }
0x5c: {  	s10 =	simm.s32 $0x1BA90;
	v32 =	vmul.f32 v32, v17;
	v62 =	vld.idx.msk [tilespmem:v38+s2+$0x0], $0xffff;
	v29 =	vadd.s32 v25, v37;
	v63 =	vadd.s32 $0x10, v26  }
0x5d: {  	v0 =	vmul.f32 v31, v16;
	v61 =	vadd.f32 v27, v60;
	v27 =	vld [tilespmem:s10+$0x0];
	v49 =	vadd.s32 $0x120, v29  }
0x5e: {  	s23 =	sand.u32 $0x1, s30;
	v52 =	vmul.f32 v31, v19;
	v1 =	vand.u32 $0x7F, v37;
	v53 =	vadd.s32 $0x30, v26  }
0x5f: {  	s31 =	simm.s32 $0x1C00;
	p0 =	seq.s32 s23, $0x1;
	v59 =	vmul.f32 v54, v22;
	v41 =	vadd.f32 v43, v41;
	v32 =	vadd.f32 v0, v32  }
0x60: {  	s25 =	simm.s32 $0x0;
	s31 =	simm.s32 @!p0 $0x0;
	v58 =	vadd.f32 v40, v50;
	v34 =	vadd.f32 v34, v35;
	v2 =	vadd.s32 $0x20, v26;
	v38 =	vld.idx.msk [tilespmem:v26+s20+$0x0], $0xffff  }
0x61: {  	s3 =	sand.u32 $0x1C00, s25;
	s0 =	sadd.s32 $0x1BE00, s31;
	v39 =	vadd.f32 v33, v62;
	v55 =	vadd.s32 $0x240, v29;
	v56 =	vand.u32 $0xFFFFFF80, v29;
	v43 =	vld.idx.msk [tilespmem:v63+s20+$0x0], $0xffff  }
0x62: {  	s1 =	sand.u32 $0x70, s25;
	s3 =	sadd.s32 s3, s0;
	v0 =	vadd.f32 v58, v61;
	v35 =	vor.u32 v1, v56;
	v1 =	vmul.f32 v27, v23;
	v57 =	vld.idx.msk [tilespmem:v49+s2+$0x0], $0xffff  }
0x63: {  	s5 =	sadd.s32 s1, s3;
	s1 =	simm.s32 $0x1B020;
	v41 =	vadd.f32 v46, v41;
	v46 =	vadd.s32 $0x360, v29;
	v33 =	vadd.s32 $0x480, v35;
	v35 =	vld.idx.msk [tilespmem:v53+s20+$0x0], $0xffff  }
0x64: {  	v42 =	vadd.f32 v52, v42;
	v36 =	vadd.f32 v1, v59;
	v1 =	vadd.s32 $0x70, v30;
	v49 =	vld [tilespmem:s1+$0x0]  }
0x65: {  	v60 =	vmul.f32 v54, v20;
	v32 =	vadd.f32 v34, v32;
	[tilespmem:s5+$0x0] =	vst v0;
	v34 =	vld.idx.msk [tilespmem:v2+s20+$0x0], $0xffff  }
0x66: {  	s3 =	simm.s32 $0x1B3A0;
	v40 =	vadd.s32 $0x50, v30;
	v62 =	vmul.f32 v27, v21;
	v39 =	vadd.f32 v39, v42;
	[tilespmem:s5+$0x80] =	vst v41;
	v61 =	vld.idx.msk [tilespmem:v55+s2+$0x0], $0xffff  }
0x67: {  	v58 =	vmul.f32 v31, v11;
	[tilespmem:s5+$0x100] =	vst v32;
	v2 =	vadd.s32 $0x7E0, v28;
	v53 =	vld [tilespmem:s3+$0x0]  }
0x68: {  	[tilespmem:s5+$0x180] =	vst v39;
	v39 =	vadd.f32 v62, v60;
	v32 =	vadd.s32 $0x60, v30;
	v63 =	vadd.s32 $0x5A0, v28;
	v46 =	vld.idx.msk [tilespmem:v46+s2+$0x0], $0xffff  }
0x69: {  	v30 =	vadd.s32 $0x40, v30;
	v59 =	vmul.f32 v27, v19;
	v55 =	vmul.f32 v54, v18;
	v60 =	vld.idx.msk [tilespmem:v1+s20+$0x0], $0xffff  }
0x6a: {  	v41 =	vadd.f32 v58, v48;
	v62 =	vmul.f32 v54, v17;
	v0 =	vadd.f32 v43, v57;
	v57 =	vld.idx.msk [tilespmem:v44+s2+$0x0], $0xffff  }
0x6b: {  	v55 =	vadd.f32 v59, v55;
	v1 =	vmul.f32 v31, v13;
	v43 =	vadd.s32 $0x6C0, v28;
	v44 =	vld.idx.msk [tilespmem:v40+s20+$0x0], $0xffff  }
0x6c: {  	v28 =	vmul.f32 v54, v14;
	v37 =	vld.idx.msk [tilespmem:v2+s2+$0x0], $0xffff;
	v2 =	vmul.f32 v31, v10;
	v34 =	vadd.f32 v34, v61  }
0x6d: {  	v52 =	vld.idx.msk [tilespmem:v63+s2+$0x0], $0xffff;
	v63 =	vmul.f32 v27, v16;
	v42 =	vadd.f32 v1, v47;
	v56 =	vadd.f32 v0, v36  }
0x6e: {  	s6 =	simm.s32 $0x80;
	v58 =	vld.idx.msk [tilespmem:v30+s20+$0x0], $0xffff;
	v0 =	vmul.f32 v31, v15;
	v40 =	vadd.f32 v2, v51;
	v2 =	vand.u32 $0x7F, v49  }
0x6f: {  	s4 =	simm.s32 $0x10;
	s9 =	sand.u32 $0x1C00, s6;
	v31 =	vadd.s32 v24, v53;
	v53 =	vld.idx.msk [tilespmem:v32+s20+$0x0], $0xffff;
	v36 =	vadd.s32 v25, v49;
	v32 =	vmul.f32 v54, v12  }
0x70: {  	s4 =	sand.u32 $0x70, s4;
	s9 =	sadd.s32 s9, s0;
	v49 =	vadd.s32 $0x10, v31;
	v59 =	vadd.s32 $0x120, v36;
	v30 =	vand.u32 $0xFFFFFF80, v36;
	v43 =	vld.idx.msk [tilespmem:v43+s2+$0x0], $0xffff  }
0x71: {  	s24 =	simm.s32 $0x1BAA0;
	s4 =	sadd.s32 s4, s9;
	v50 =	vld.idx.msk [tilespmem:v29+s2+$0x0], $0xffff;
	v61 =	vadd.f32 v0, v45;
	v0 =	vadd.f32 v63, v62;
	v1 =	vor.u32 v2, v30  }
0x72: {  	s8 =	simm.s32 $0x1B720;
	v30 =	vld [tilespmem:s24+$0x0];
	v63 =	vadd.f32 v35, v46;
	[tilespmem:s4+$0x80] =	vst v56;
	v56 =	vadd.s32 $0x30, v31;
	v44 =	vadd.f32 v44, v52  }
0x73: {  	v47 =	vadd.s32 $0x240, v36;
	v35 =	vld [tilespmem:s8+$0x0];
	v45 =	vadd.f32 v60, v37;
	v52 =	vadd.f32 v58, v57  }
0x74: {  	v37 =	vmul.f32 v54, v9;
	v2 =	vadd.f32 v34, v0;
	v46 =	vadd.f32 v44, v61;
	v44 =	vld.idx.msk [tilespmem:v31+s20+$0x0], $0xffff  }
0x75: {  	v34 =	vmul.f32 v54, v8;
	v51 =	vld.idx.msk [tilespmem:v49+s20+$0x0], $0xffff;
	v48 =	vadd.f32 v53, v43;
	v53 =	vadd.s32 $0x20, v31  }
0x76: {  	s23 =	simm.s32 $0x20;
	s25 =	simm.s32 $0x30;
	v55 =	vadd.f32 v63, v55;
	[tilespmem:s4+$0x100] =	vst v2;
	v54 =	vld.idx.msk [tilespmem:v59+s2+$0x0], $0xffff;
	v49 =	vadd.s32 $0x6C0, v29;
	v43 =	vadd.s32 $0x480, v1  }
.LBB2_3:
0x77: {  	v57 =	vld.idx.msk [tilespmem:v56+s20+$0x0], $0xffff;
	s1 =	sadd.s32 $0x10, s1;
	s3 =	sadd.s32 $0x10, s3;
	v38 =	vadd.f32 v38, v50;
	v50 =	vadd.s32 $0x50, v26;
	s6 =	sadd.s32 $0x80, s6;
	[tilespmem:s5+$0x280] =	vst v46;
	v41 =	vadd.f32 v45, v41  }
0x78: {  	p0 =	sne.s32 s25, $0x360;
	v46 =	vadd.s32 $0x360, v36;
	v40 =	vadd.f32 v48, v40;
	s9 =	smov.u32 s25;
	s25 =	sadd.s32 $0x10, s25;
	v45 =	vld [tilespmem:s1+$0x0];
	[tilespmem:s4+$0x180] =	vst v55;
	v42 =	vadd.f32 v52, v42  }
0x79: {  	v52 =	vmul.f32 v35, v22;
	v55 =	vmul.f32 v35, v18;
	v48 =	vld [tilespmem:s3+$0x0];
	v38 =	vadd.f32 v38, v39;
	[tilespmem:s5+$0x380] =	vst v41  }
0x7a: {  	v56 =	vadd.s32 $0x7E0, v29;
	v39 =	vmul.f32 v35, v20;
	v41 =	vld.idx.msk [tilespmem:v53+s20+$0x0], $0xffff;
	v53 =	vmul.f32 v30, v23;
	[tilespmem:s5+$0x300] =	vst v40  }
0x7b: {  	v58 =	vmul.f32 v35, v14;
	v40 =	vld.idx.msk [tilespmem:v47+s2+$0x0], $0xffff;
	v47 =	vmul.f32 v30, v21;
	[tilespmem:s4+$0x0] =	vst v38;
	v38 =	vadd.s32 $0x5A0, v29  }
0x7c: {  	v0 =	vadd.f32 v51, v54;
	v51 =	vadd.f32 v53, v52;
	v52 =	vld.idx.msk [tilespmem:v33+s2+$0x0], $0xffff;
	v53 =	vadd.s32 $0x70, v26;
	[tilespmem:s5+$0x200] =	vst v42;
	s5 =	smov.u32 s4  }
0x7d: {  	v54 =	vmul.f32 v35, v8;
	v39 =	vadd.f32 v47, v39;
	v47 =	vmul.f32 v35, v12;
	v59 =	vld.idx.msk [tilespmem:v50+s20+$0x0], $0xffff  }
0x7e: {  	v60 =	vmul.f32 v35, v9;
	v29 =	vmovc v36;
	v42 =	vadd.s32 $0x60, v26;
	v51 =	vadd.f32 v0, v51;
	v49 =	vld.idx.msk [tilespmem:v49+s2+$0x0], $0xffff  }
0x7f: {  	v61 =	vmul.f32 v30, v19;
	v36 =	vmul.f32 v27, v10;
	v50 =	vadd.s32 $0x40, v26;
	v26 =	vmovc v31;
	v62 =	vld.idx.msk [tilespmem:v56+s2+$0x0], $0xffff  }
0x80: {  	v33 =	vmovc v43;
	v31 =	vmul.f32 v27, v15;
	v56 =	vmul.f32 v27, v11;
	v63 =	vld.idx.msk [tilespmem:v38+s2+$0x0], $0xffff;
	v38 =	vmov v44  }
0x81: {  	v27 =	vmul.f32 v27, v13;
	v43 =	vadd.f32 v41, v40;
	v40 =	vadd.f32 v36, v37;
	v44 =	vld.idx.msk [tilespmem:v53+s20+$0x0], $0xffff  }
0x82: {  	v0 =	vand.u32 $0x7F, v45;
	v1 =	vadd.f32 v31, v28;
	v28 =	vmovc v58;
	v41 =	vadd.f32 v56, v34;
	v46 =	vld.idx.msk [tilespmem:v46+s2+$0x0], $0xffff  }
0x83: {  	s4 =	sand.u32 $0x1C00, s6;
	v35 =	vmul.f32 v35, v17;
	v31 =	vadd.s32 v24, v48;
	v48 =	vld.idx.msk [tilespmem:v42+s20+$0x0], $0xffff;
	v42 =	vadd.f32 v27, v32  }
0x84: {  	s10 =	sand.u32 $0x70, s23;
	s23 =	smov.u32 s9;
	s4 =	sadd.s32 s4, s0;
	v36 =	vadd.s32 v25, v45;
	v58 =	vadd.s32 $0x10, v31;
	v45 =	vmul.f32 v30, v16;
	v32 =	vmovc v47;
	v2 =	vld.idx.msk [tilespmem:v50+s20+$0x0], $0xffff  }
0x85: {  	s24 =	sadd.s32 $0x10, s24;
	v55 =	vadd.f32 v61, v55;
	s4 =	sadd.s32 s10, s4;
	v37 =	vmovc v60;
	v3 =	vadd.s32 $0x120, v36;
	v34 =	vmovc v54;
	v47 =	vadd.s32 $0x240, v36;
	v50 =	vld.idx.msk [tilespmem:v29+s2+$0x0], $0xffff  }
.Ltmp0:
0x86: {  	s8 =	sadd.s32 $0x10, s8;
	v53 =	vadd.s32 $0x20, v31;
	v56 =	vadd.s32 $0x30, v31;
	v27 =	vmovc v30;
	[tilespmem:s4+$0x80] =	vst v51;
	v51 =	vadd.f32 v45, v35;
	v30 =	vld [tilespmem:s24+$0x0];
	(pc) =	sbr.rel @p0 .LBB2_3-.Ltmp0, $4  }
0x87: {  	v54 =	vand.u32 $0xFFFFFF80, v36;
	v59 =	vadd.f32 v59, v63;
	v45 =	vadd.f32 v44, v62;
	v35 =	vld [tilespmem:s8+$0x0]  }
0x88: {  	v0 =	vor.u32 v0, v54;
	v57 =	vadd.f32 v57, v46;
	v44 =	vld.idx.msk [tilespmem:v31+s20+$0x0], $0xffff;
	v60 =	vadd.f32 v43, v51  }
0x89: {  	v46 =	vadd.f32 v59, v1;
	v43 =	vadd.s32 $0x480, v0;
	v48 =	vadd.f32 v48, v49;
	v51 =	vld.idx.msk [tilespmem:v58+s20+$0x0], $0xffff  }
0x8a: {  	v49 =	vadd.s32 $0x6C0, v29;
	v55 =	vadd.f32 v57, v55;
	v52 =	vadd.f32 v2, v52;
	v54 =	vld.idx.msk [tilespmem:v3+s2+$0x0], $0xffff;
	[tilespmem:s4+$0x100] =	vst v60  }
0x8b: {  	_ =	sdelay $0x2  }
0x8c: {  	v0 =	vadd.s32 $0x360, v36  }
0x8d: {  	v2 =	vadd.f32 v38, v50;
	v50 =	vld.idx.msk [tilespmem:v53+s20+$0x0], $0xffff  }
0x8e: {  	v3 =	vadd.s32 $0x50, v26;
	v61 =	vmul.f32 v30, v23;
	v47 =	vld.idx.msk [tilespmem:v47+s2+$0x0], $0xffff;
	v57 =	vadd.s32 $0x7E0, v29  }
0x8f: {  	v1 =	vld.idx.msk [tilespmem:v56+s20+$0x0], $0xffff;
	v58 =	vmul.f32 v30, v21;
	v29 =	vadd.s32 $0x5A0, v29;
	v60 =	vmul.f32 v35, v22  }
0x90: {  	v53 =	vmul.f32 v35, v18;
	v62 =	vmul.f32 v35, v20;
	v2 =	vadd.f32 v2, v39;
	v39 =	vld.idx.msk [tilespmem:v36+s2+$0x0], $0xffff  }
0x91: {  	v59 =	vadd.s32 $0x40, v26;
	[tilespmem:s4+$0x180] =	vst v55;
	v63 =	vmul.f32 v35, v17;
	v38 =	vadd.f32 v61, v60;
	v0 =	vld.idx.msk [tilespmem:v0+s2+$0x0], $0xffff  }
0x92: {  	v60 =	vmul.f32 v30, v16;
	v61 =	vadd.s32 $0x70, v26;
	v51 =	vadd.f32 v51, v54;
	[tilespmem:s4+$0x0] =	vst v2  }
0x93: {  	s1 =	sadd.s32 $0x80, s6;
	v2 =	vadd.f32 v58, v62;
	v62 =	vmul.f32 v30, v19;
	v33 =	vld.idx.msk [tilespmem:v33+s2+$0x0], $0xffff;
	v47 =	vadd.f32 v50, v47  }
0x94: {  	s1 =	sand.u32 $0x1C00, s1;
	v58 =	vadd.s32 $0x60, v26;
	v3 =	vld.idx.msk [tilespmem:v3+s20+$0x0], $0xffff;
	v63 =	vadd.f32 v60, v63;
	v38 =	vadd.f32 v51, v38  }
0x95: {  	s3 =	sand.u32 $0x70, s23;
	s1 =	sadd.s32 s1, s0;
	v49 =	vld.idx.msk [tilespmem:v49+s2+$0x0], $0xffff;
	v51 =	vadd.f32 v62, v53;
	v39 =	vadd.f32 v44, v39  }
0x96: {  	s1 =	sadd.s32 s3, s1;
	v29 =	vld.idx.msk [tilespmem:v29+s2+$0x0], $0xffff;
	v47 =	vadd.f32 v47, v63;
	v0 =	vadd.f32 v1, v0  }
0x97: {  	v41 =	vadd.f32 v45, v41;
	v60 =	vadd.s32 $0x50, v31;
	v26 =	vld.idx.msk [tilespmem:v59+s20+$0x0], $0xffff;
	[tilespmem:s1+$0x80] =	vst v38;
	v2 =	vadd.f32 v39, v2  }
0x98: {  	v40 =	vadd.f32 v48, v40;
	v44 =	vld.idx.msk [tilespmem:v61+s20+$0x0], $0xffff;
	v61 =	vadd.s32 $0x6C0, v36;
	[tilespmem:s1+$0x100] =	vst v47;
	v0 =	vadd.f32 v0, v51  }
0x99: {  	v56 =	vmul.f32 v27, v13;
	v62 =	vadd.s32 $0x7E0, v36;
	v39 =	vadd.f32 v52, v42;
	v42 =	vld.idx.msk [tilespmem:v58+s20+$0x0], $0xffff;
	[tilespmem:s1+$0x0] =	vst v2  }
0x9a: {  	v45 =	vmul.f32 v30, v10;
	v54 =	vmul.f32 v27, v11;
	v52 =	vadd.s32 $0x5A0, v36;
	v1 =	vld.idx.msk [tilespmem:v57+s2+$0x0], $0xffff;
	[tilespmem:s1+$0x180] =	vst v0  }
0x9b: {  	[tilespmem:s5+$0x280] =	vst v46;
	v46 =	vmul.f32 v30, v15;
	v55 =	vadd.s32 $0x70, v31;
	v53 =	vmul.f32 v27, v15;
	v43 =	vld.idx.msk [tilespmem:v43+s2+$0x0], $0xffff  }
0x9c: {  	v34 =	vadd.f32 v54, v34;
	v63 =	vmul.f32 v27, v10;
	v57 =	vadd.s32 $0x60, v31;
	v38 =	vld.idx.msk [tilespmem:v60+s20+$0x0], $0xffff  }
0x9d: {  	[tilespmem:s5+$0x380] =	vst v41;
	v59 =	vadd.s32 $0x40, v31;
	v28 =	vadd.f32 v53, v28;
	v3 =	vadd.f32 v3, v29;
	v58 =	vld.idx.msk [tilespmem:v61+s2+$0x0], $0xffff  }
0x9e: {  	[tilespmem:s5+$0x300] =	vst v40;
	v27 =	vadd.f32 v56, v32;
	v37 =	vadd.f32 v63, v37;
	v0 =	vld.idx.msk [tilespmem:v62+s2+$0x0], $0xffff  }
0x9f: {  	v47 =	vmul.f32 v35, v14;
	v26 =	vadd.f32 v26, v33;
	v3 =	vadd.f32 v3, v28;
	v2 =	vld.idx.msk [tilespmem:v52+s2+$0x0], $0xffff  }
0xa0: {  	v50 =	vmul.f32 v30, v13;
	v63 =	vadd.f32 v42, v49;
	v1 =	vadd.f32 v44, v1;
	v44 =	vld.idx.msk [tilespmem:v55+s20+$0x0], $0xffff  }
0xa1: {  	v26 =	vadd.f32 v26, v27;
	v51 =	vadd.f32 v46, v47;
	v62 =	vmul.f32 v35, v9;
	v41 =	vld.idx.msk [tilespmem:v57+s20+$0x0], $0xffff  }
0xa2: {  	v49 =	vmul.f32 v30, v11;
	v61 =	vmul.f32 v35, v8;
	v31 =	vld.idx.msk [tilespmem:v59+s20+$0x0], $0xffff;
	v48 =	vadd.f32 v63, v37  }
0xa3: {  	[tilespmem:s5+$0x200] =	vst v39;
	v60 =	vmul.f32 v35, v12;
	v1 =	vadd.f32 v1, v34;
	v28 =	vadd.f32 v45, v62  }
0xa4: {  	[tilespmem:s4+$0x280] =	vst v3;
	v3 =	vadd.f32 v49, v61;
	v2 =	vadd.f32 v38, v2  }
0xa5: {  	[tilespmem:s4+$0x200] =	vst v26;
	v52 =	vadd.f32 v50, v60;
	v0 =	vadd.f32 v44, v0  }
0xa6: {  	[tilespmem:s4+$0x300] =	vst v48;
	v53 =	vadd.f32 v41, v58;
	v2 =	vadd.f32 v2, v51  }
0xa7: {  	[tilespmem:s4+$0x380] =	vst v1;
	v54 =	vadd.f32 v31, v43;
	v0 =	vadd.f32 v0, v3  }
0xa8: {  	v55 =	vadd.f32 v53, v28;
	[tilespmem:s1+$0x280] =	vst v2  }
0xa9: {  	v1 =	vadd.f32 v54, v52;
	[tilespmem:s1+$0x380] =	vst v0  }
0xaa: {  	[tilespmem:s1+$0x300] =	vst v55  }
0xab: {  	[tilespmem:s1+$0x200] =	vst v1  }
0xac: {  	v0 =	vld [tilespmem:$0x1B363]  }
0xad: {  	v1 =	vld [tilespmem:$0x1B6E3];
	_ =	sdelay $0x3  }
0xae: {  	v56 =	vadd.s32 v25, v0  }
0xaf: {  	v1 =	vadd.s32 v24, v1  }
0xb0: {  	v3 =	vadd.s32 $0x120, v56  }
0xb1: {  	v26 =	vld [tilespmem:$0x1BDE3];
	v57 =	vadd.s32 $0x10, v1  }
0xb2: {  	v24 =	vld [tilespmem:$0x1BA63];
	v59 =	vadd.s32 $0x240, v56  }
0xb3: {  	v60 =	vadd.s32 $0x360, v56;
	v58 =	vld.idx.msk [tilespmem:v56+s2+$0x0], $0xffff  }
0xb4: {  	v62 =	vadd.s32 $0x20, v1;
	v61 =	vld.idx.msk [tilespmem:v1+s20+$0x0], $0xffff  }
0xb5: {  	v63 =	vadd.s32 $0x30, v1;
	v3 =	vld.idx.msk [tilespmem:v3+s2+$0x0], $0xffff  }
0xb6: {  	v25 =	vld.idx.msk [tilespmem:v57+s20+$0x0], $0xffff  }
0xb7: {  	v37 =	vmul.f32 v26, v21;
	v28 =	vld.idx.msk [tilespmem:v59+s2+$0x0], $0xffff  }
0xb8: {  	v39 =	vmul.f32 v26, v23;
	v42 =	vmul.f32 v26, v16;
	v29 =	vld.idx.msk [tilespmem:v60+s2+$0x0], $0xffff  }
0xb9: {  	v36 =	vmul.f32 v24, v20;
	v38 =	vmul.f32 v24, v22;
	v31 =	vld.idx.msk [tilespmem:v62+s20+$0x0], $0xffff  }
0xba: {  	v44 =	vmul.f32 v26, v19;
	v41 =	vmul.f32 v24, v17;
	v40 =	vld.idx.msk [tilespmem:v63+s20+$0x0], $0xffff  }
0xbb: {  	v43 =	vmul.f32 v24, v18;
	v20 =	vadd.f32 v37, v36;
	v22 =	vadd.f32 v39, v38  }
0xbc: {  	v0 =	vand.u32 $0x7F, v0;
	v16 =	vadd.f32 v42, v41;
	v27 =	vadd.f32 v61, v58  }
0xbd: {  	v45 =	vand.u32 $0xFFFFFF80, v56;
	v18 =	vadd.f32 v44, v43;
	v3 =	vadd.f32 v25, v3  }
0xbe: {  	v0 =	vor.u32 v0, v45;
	v46 =	vadd.f32 v31, v28;
	v20 =	vadd.f32 v27, v20  }
0xbf: {  	v0 =	vadd.s32 $0x480, v0;
	v47 =	vadd.f32 v40, v29;
	v3 =	vadd.f32 v3, v22  }
0xc0: {  	v48 =	vadd.s32 $0x5A0, v56;
	v16 =	vadd.f32 v46, v16;
	[tilespmem:s31+$0x1D663] =	vst v20  }
0xc1: {  	v49 =	vadd.s32 $0x40, v1;
	[tilespmem:s31+$0x1D6E3] =	vst v3;
	v3 =	vadd.f32 v47, v18  }
0xc2: {  	v50 =	vadd.s32 $0x50, v1;
	[tilespmem:s31+$0x1D763] =	vst v16  }
0xc3: {  	v2 =	vadd.s32 $0x7E0, v56;
	[tilespmem:s31+$0x1D7E3] =	vst v3  }
0xc4: {  	v52 =	vadd.s32 $0x60, v1;
	v0 =	vld.idx.msk [tilespmem:v0+s2+$0x0], $0xffff  }
0xc5: {  	v1 =	vadd.s32 $0x70, v1;
	v51 =	vld.idx.msk [tilespmem:v48+s2+$0x0], $0xffff  }
0xc6: {  	v3 =	vadd.s32 $0x6C0, v56;
	v17 =	vld.idx.msk [tilespmem:v49+s20+$0x0], $0xffff  }
0xc7: {  	v16 =	vld.idx.msk [tilespmem:v50+s20+$0x0], $0xffff  }
0xc8: {  	v54 =	vmul.f32 v26, v13;
	v2 =	vld.idx.msk [tilespmem:v2+s2+$0x0], $0xffff  }
0xc9: {  	v53 =	vmul.f32 v24, v12;
	v55 =	vmul.f32 v24, v14;
	v19 =	vld.idx.msk [tilespmem:v52+s20+$0x0], $0xffff  }
0xca: {  	v59 =	vmul.f32 v26, v10;
	v58 =	vmul.f32 v24, v9;
	v1 =	vld.idx.msk [tilespmem:v1+s20+$0x0], $0xffff  }
0xcb: {  	v8 =	vmul.f32 v24, v8;
	v61 =	vmul.f32 v26, v11;
	v3 =	vld.idx.msk [tilespmem:v3+s2+$0x0], $0xffff  }
0xcc: {  	v12 =	vadd.f32 v54, v53;
	v9 =	vadd.f32 v59, v58;
	v56 =	vmul.f32 v26, v15  }
0xcd: {  	v62 =	vadd.f32 v61, v8;
	v0 =	vadd.f32 v17, v0  }
0xce: {  	v14 =	vadd.f32 v56, v55;
	v57 =	vadd.f32 v16, v51  }
0xcf: {  	s25 =	smul.u32 $0x1C00, s30;
	s30 =	sadd.s32 $0x1, s30;
	v1 =	vadd.f32 v1, v2;
	v0 =	vadd.f32 v0, v12  }
0xd0: {  	p0 =	sne.s32 s30, $0x20;
	v60 =	vadd.f32 v57, v14;
	v3 =	vadd.f32 v19, v3  }
.Ltmp1:
0xd1: {  	v1 =	vadd.f32 v1, v62;
	[tilespmem:s31+$0x1D863] =	vst v0;
	(pc) =	sbr.rel @p0 .LBB2_2-.Ltmp1, $4  }
0xd2: {  	s1 =	sadd.s32 s12, s25;
	[tilespmem:s31+$0x1D8E3] =	vst v60;
	v63 =	vadd.f32 v3, v9  }
0xd3: {  	s1 =	sshrl.u32 s1, $0x3;
	[tilespmem:s31+$0x1D9E3] =	vst v1  }
0xd4: {  	s1 =	sadd.s32 s7, s1;
	[tilespmem:s31+$0x1D963] =	vst v63  }
0xd5: {  	[hbm4b:s1+s2] =	stream.linear.scatter [tilespmem:s0], [sflag:$0x1], $0x1C00, $0x38;
	[tilespmem:$0x1F600] =	vst v63  }
0xd6: {  	_ =	swait.ge [sflag:s28], $0x1C00  }
0xd7: {  	[sflag:s28] =	ssyncset.done $0x0  }
0xd8: {  	[sflag:s28] =	ssyncadd.s32 $0xFFFFE400  }
0xd9: {  	_ =	swait.ge [sflag:s28], $0x1C00  }
0xda: {  	[sflag:s28] =	ssyncset.done $0x0  }
0xdb: {  	s30 =	simm.s32 $0x0;
	[sflag:s28] =	ssyncadd.s32 $0xFFFFE400  }
0xdc: {  	[tilespmem:s11], [sflag:$0x2] =	stream.linear.gather [hbm4b:s13+s30], $0x380, $0x38;
	[tilespmem:$0x1F600] =	vst v63  }
0xdd: {  	_ =	swait.ge [sflag:s19], $0x380  }
0xde: {  	[sflag:s19] =	ssyncset.done $0x0  }
0xdf: {  	s0 =	simm.s32 $0x1B380;
	[sflag:s19] =	ssyncadd.s32 $0xFFFFFC80  }
0xe0: {  	[tilespmem:s0], [sflag:$0x2] =	stream.linear.gather [hbm4b:s14+s30], $0x380, $0x38;
	[tilespmem:$0x1F600] =	vst v63  }
0xe1: {  	_ =	swait.ge [sflag:s19], $0x380  }
0xe2: {  	[sflag:s19] =	ssyncset.done $0x0  }
0xe3: {  	s25 =	simm.s32 $0x1B700;
	[sflag:s19] =	ssyncadd.s32 $0xFFFFFC80  }
0xe4: {  	[tilespmem:s25], [sflag:$0x2] =	stream.linear.gather [hbm4b:s15+s30], $0x380, $0x38;
	[tilespmem:$0x1F600] =	vst v63  }
0xe5: {  	_ =	swait.ge [sflag:s19], $0x380  }
0xe6: {  	[sflag:s19] =	ssyncset.done $0x0  }
0xe7: {  	[sflag:s19] =	ssyncadd.s32 $0xFFFFFC80  }
0xe8: {  	[tilespmem:s26], [sflag:$0x2] =	stream.linear.gather [hbm4b:s16+s30], $0x380, $0x38;
	[tilespmem:$0x1F600] =	vst v63  }
0xe9: {  	_ =	swait.ge [sflag:s19], $0x380  }
0xea: {  	[sflag:s19] =	ssyncset.done $0x0  }
0xeb: {  	s31 =	simm.s32 $0x0;
	[sflag:s19] =	ssyncadd.s32 $0xFFFFFC80  }
.LBB2_6:
0xec: {  	s0 =	sshll.u32 s31, $0x7  }
0xed: {  	v24 =	vor.u32 s0, v4  }
0xee: {  	v0 =	vld [tilespmem:$0x1FFC0]  }
0xef: {  	v1 =	vld [tilespmem:$0x1FFD0];
	v56 =	vor.u32 s0, v5  }
0xf0: {  	v2 =	vld [tilespmem:$0x1FFE0]  }
0xf1: {  	v55 =	vld [tilespmem:$0x1FFF0];
	v57 =	vor.u32 s0, v6  }
0xf2: {  	v20 =	vld.idx.msk [tilespmem:v24+s21+$0x0], $0xffff  }
0xf3: {  	v58 =	vor.u32 s0, v7;
	v21 =	vld.idx.msk [tilespmem:v24+s22+$0x0], $0xffff  }
0xf4: {  	v14 =	vld.idx.msk [tilespmem:v56+s21+$0x0], $0xffff  }
0xf5: {  	v0 =	vor.u32 s0, v0;
	v15 =	vld.idx.msk [tilespmem:v56+s22+$0x0], $0xffff  }
0xf6: {  	v9 =	vld.idx.msk [tilespmem:v57+s21+$0x0], $0xffff  }
0xf7: {  	v1 =	vor.u32 s0, v1;
	v10 =	vld.idx.msk [tilespmem:v57+s22+$0x0], $0xffff  }
0xf8: {  	v8 =	vld.idx.msk [tilespmem:v58+s21+$0x0], $0xffff  }
0xf9: {  	v2 =	vor.u32 s0, v2;
	v11 =	vld.idx.msk [tilespmem:v58+s22+$0x0], $0xffff  }
0xfa: {  	v22 =	vld.idx.msk [tilespmem:v0+s21+$0x0], $0xffff  }
0xfb: {  	v23 =	vld.idx.msk [tilespmem:v0+s22+$0x0], $0xffff;
	v0 =	vor.u32 s0, v55  }
0xfc: {  	v17 =	vld.idx.msk [tilespmem:v1+s21+$0x0], $0xffff  }
0xfd: {  	v16 =	vld.idx.msk [tilespmem:v1+s22+$0x0], $0xffff  }
0xfe: {  	v18 =	vld.idx.msk [tilespmem:v2+s21+$0x0], $0xffff  }
0xff: {  	p0 =	slt.u32 s31, $0x2;
	v19 =	vld.idx.msk [tilespmem:v2+s22+$0x0], $0xffff  }
0x100: {  	s0 =	simm.s32 @!p0 $0x1;
	v12 =	vld.idx.msk [tilespmem:v0+s21+$0x0], $0xffff  }
0x101: {  	v13 =	vld.idx.msk [tilespmem:v0+s22+$0x0], $0xffff;
	_ =	swait.ge @!p0 [sflag:s0], $0x1C00  }
0x102: {  	[sflag:s0] =	ssyncset.done @!p0 $0x0  }
0x103: {  	s4 =	simm.s32 $0x1B380;
	[sflag:s0] =	ssyncadd.s32 @!p0 $0xFFFFE400  }
0x104: {  	s1 =	simm.s32 $0x1B000;
	v59 =	vld [tilespmem:s4+$0x0]  }
0x105: {  	v60 =	vld [tilespmem:s1+$0x0];
	_ =	sdelay $0x1  }
0x106: {  	s5 =	smul.u32 $0x900, s31  }
0x107: {  	s6 =	simm.s32 $0x1BA80  }
0x108: {  	s8 =	simm.s32 $0x1B700;
	v25 =	vmov s5;
	v30 =	vld [tilespmem:s6+$0x0];
	v0 =	vadd.s32 v24, v59  }
0x109: {  	s9 =	simm.s32 $0x1B390;
	v28 =	vld [tilespmem:s8+$0x0];
	v2 =	vadd.s32 v25, v60;
	v3 =	vadd.s32 $0x10, v0  }
0x10a: {  	s10 =	simm.s32 $0x1B010;
	v32 =	vld [tilespmem:s9+$0x0];
	v26 =	vadd.s32 $0x120, v2  }
0x10b: {  	s3 =	simm.s32 $0x1B710;
	v33 =	vld [tilespmem:s10+$0x0];
	v27 =	vadd.s32 $0x30, v0  }
0x10c: {  	v51 =	vld [tilespmem:s3+$0x0];
	v29 =	vadd.s32 $0x20, v0  }
0x10d: {  	v31 =	vadd.s32 $0x240, v2;
	v36 =	vld.idx.msk [tilespmem:v0+s20+$0x0], $0xffff  }
0x10e: {  	v37 =	vmul.f32 v28, v22;
	v39 =	vmul.f32 v28, v18;
	v34 =	vadd.s32 $0x360, v2;
	v3 =	vld.idx.msk [tilespmem:v3+s20+$0x0], $0xffff  }
0x10f: {  	v38 =	vmul.f32 v30, v23;
	v41 =	vmul.f32 v28, v14;
	v26 =	vld.idx.msk [tilespmem:v26+s2+$0x0], $0xffff  }
0x110: {  	v43 =	vmul.f32 v28, v12;
	v44 =	vmul.f32 v28, v8;
	v61 =	vld.idx.msk [tilespmem:v27+s20+$0x0], $0xffff  }
0x111: {  	v47 =	vmul.f32 v28, v9;
	v48 =	vmul.f32 v30, v19;
	v40 =	vld.idx.msk [tilespmem:v29+s20+$0x0], $0xffff  }
0x112: {  	v1 =	vand.u32 $0x7F, v60;
	v27 =	vmul.f32 v28, v20;
	v29 =	vmul.f32 v30, v21;
	v31 =	vld.idx.msk [tilespmem:v31+s2+$0x0], $0xffff  }
0x113: {  	v63 =	vmul.f32 v30, v16;
	v56 =	vmul.f32 v51, v22;
	v35 =	vand.u32 $0xFFFFFF80, v2;
	v34 =	vld.idx.msk [tilespmem:v34+s2+$0x0], $0xffff  }
0x114: {  	v55 =	vadd.s32 $0x50, v0;
	v46 =	vld.idx.msk [tilespmem:v2+s2+$0x0], $0xffff;
	v62 =	vadd.f32 v29, v27;
	v29 =	vadd.s32 v25, v33  }
0x115: {  	v58 =	vadd.s32 $0x7E0, v2;
	v28 =	vmul.f32 v28, v17;
	v45 =	vadd.s32 $0x120, v29  }
0x116: {  	s11 =	simm.s32 $0x1BA90;
	s23 =	sand.u32 $0x1, s31;
	v50 =	vadd.s32 $0x240, v29;
	v3 =	vadd.f32 v3, v26;
	v26 =	vadd.s32 v24, v32  }
0x117: {  	p0 =	seq.s32 s23, $0x1;
	s0 =	simm.s32 $0x1C00;
	s4 =	simm.s32 $0x1B3A0;
	v27 =	vld [tilespmem:s11+$0x0];
	v28 =	vadd.f32 v63, v28;
	v31 =	vadd.f32 v40, v31;
	v42 =	vadd.s32 $0x10, v26  }
0x118: {  	s0 =	simm.s32 @!p0 $0x0;
	s3 =	simm.s32 $0x1B020;
	v60 =	vadd.s32 $0x5A0, v2;
	v37 =	vadd.f32 v38, v37;
	v34 =	vadd.f32 v61, v34;
	v61 =	vld [tilespmem:s4+$0x0]  }
0x119: {  	s24 =	sand.u32 $0x1C00, s30;
	s5 =	sadd.s32 $0x1BE00, s0;
	v49 =	vadd.s32 $0x30, v26;
	v28 =	vadd.f32 v31, v28;
	v31 =	vadd.f32 v36, v46;
	v36 =	vld [tilespmem:s3+$0x0]  }
0x11a: {  	s25 =	sand.u32 $0x70, s30;
	s1 =	sadd.s32 s24, s5;
	v39 =	vadd.f32 v48, v39;
	v52 =	vadd.s32 $0x20, v26;
	v3 =	vadd.f32 v3, v37;
	v54 =	vld.idx.msk [tilespmem:v45+s2+$0x0], $0xffff  }
0x11b: {  	s1 =	sadd.s32 s25, s1;
	v1 =	vor.u32 v1, v35;
	v33 =	vand.u32 $0x7F, v33;
	v53 =	vand.u32 $0xFFFFFF80, v29;
	v45 =	vld.idx.msk [tilespmem:v50+s2+$0x0], $0xffff  }
0x11c: {  	v1 =	vadd.s32 $0x480, v1;
	v33 =	vor.u32 v33, v53;
	[tilespmem:s1+$0x80] =	vst v3;
	v3 =	vadd.f32 v34, v39;
	v42 =	vld.idx.msk [tilespmem:v42+s20+$0x0], $0xffff  }
0x11d: {  	v2 =	vadd.s32 $0x6C0, v2;
	v57 =	vmul.f32 v27, v23;
	[tilespmem:s1+$0x100] =	vst v28;
	v28 =	vadd.f32 v31, v62;
	v38 =	vld.idx.msk [tilespmem:v26+s20+$0x0], $0xffff  }
0x11e: {  	v63 =	vadd.s32 $0x360, v29;
	v53 =	vmul.f32 v30, v15;
	v59 =	vmul.f32 v27, v21;
	v48 =	vld.idx.msk [tilespmem:v49+s20+$0x0], $0xffff;
	[tilespmem:s1+$0x180] =	vst v3  }
0x11f: {  	v50 =	vmul.f32 v51, v18;
	v32 =	vadd.f32 v57, v56;
	v62 =	vadd.s32 $0x70, v0;
	v31 =	vld.idx.msk [tilespmem:v52+s20+$0x0], $0xffff;
	[tilespmem:s1+$0x0] =	vst v28  }
0x120: {  	v57 =	vadd.s32 $0x60, v0;
	v3 =	vmul.f32 v51, v20;
	v34 =	vld.idx.msk [tilespmem:v58+s2+$0x0], $0xffff;
	v58 =	vmul.f32 v30, v10  }
0x121: {  	v0 =	vadd.s32 $0x40, v0;
	v1 =	vld.idx.msk [tilespmem:v1+s2+$0x0], $0xffff;
	v35 =	vadd.f32 v42, v54;
	v54 =	vmul.f32 v30, v11  }
0x122: {  	v46 =	vld.idx.msk [tilespmem:v60+s2+$0x0], $0xffff;
	v39 =	vadd.f32 v59, v3;
	v59 =	vmul.f32 v27, v19;
	v40 =	vadd.f32 v58, v47  }
0x123: {  	v47 =	vadd.f32 v53, v41;
	v41 =	vadd.f32 v54, v44;
	v44 =	vld.idx.msk [tilespmem:v63+s2+$0x0], $0xffff  }
0x124: {  	v33 =	vadd.s32 $0x480, v33;
	v2 =	vld.idx.msk [tilespmem:v2+s2+$0x0], $0xffff;
	v60 =	vmul.f32 v27, v16;
	v56 =	vadd.f32 v59, v50  }
0x125: {  	v3 =	vld.idx.msk [tilespmem:v55+s20+$0x0], $0xffff;
	v55 =	vadd.f32 v31, v45;
	v30 =	vmul.f32 v30, v13;
	v31 =	vadd.s32 v24, v61  }
0x126: {  	v37 =	vld.idx.msk [tilespmem:v62+s20+$0x0], $0xffff;
	v62 =	vadd.s32 $0x10, v31;
	v52 =	vadd.f32 v35, v32;
	v63 =	vmul.f32 v51, v17  }
0x127: {  	v0 =	vld.idx.msk [tilespmem:v0+s20+$0x0], $0xffff;
	v35 =	vand.u32 $0x7F, v36;
	v42 =	vadd.f32 v30, v43;
	v36 =	vadd.s32 v25, v36  }
0x128: {  	v50 =	vld.idx.msk [tilespmem:v29+s2+$0x0], $0xffff;
	v30 =	vand.u32 $0xFFFFFF80, v36;
	v49 =	vadd.f32 v60, v63;
	v63 =	vadd.f32 v48, v44  }
0x129: {  	s23 =	simm.s32 $0x80;
	s8 =	simm.s32 $0x1BAA0;
	v28 =	vmul.f32 v51, v14;
	v61 =	vld.idx.msk [tilespmem:v57+s20+$0x0], $0xffff;
	v57 =	vadd.s32 $0x120, v36;
	v58 =	vor.u32 v35, v30  }
0x12a: {  	s6 =	simm.s32 $0x10;
	s9 =	sand.u32 $0x1C00, s23;
	s25 =	simm.s32 $0x1B720;
	v30 =	vld [tilespmem:s8+$0x0];
	v49 =	vadd.f32 v55, v49;
	v55 =	vadd.f32 v63, v56;
	v56 =	vadd.s32 $0x30, v31  }
0x12b: {  	s6 =	sand.u32 $0x70, s6;
	s9 =	sadd.s32 s9, s5;
	v53 =	vadd.s32 $0x20, v31;
	v3 =	vadd.f32 v3, v46;
	v32 =	vmul.f32 v51, v12;
	v35 =	vld [tilespmem:s25+$0x0]  }
0x12c: {  	s6 =	sadd.s32 s6, s9;
	v45 =	vadd.f32 v37, v34;
	v34 =	vmul.f32 v51, v8;
	v37 =	vmul.f32 v51, v9;
	v51 =	vld.idx.msk [tilespmem:v62+s20+$0x0], $0xffff  }
0x12d: {  	v46 =	vadd.f32 v3, v47;
	v47 =	vadd.s32 $0x240, v36;
	[tilespmem:s6+$0x80] =	vst v52;
	v52 =	vadd.f32 v0, v1;
	v44 =	vld.idx.msk [tilespmem:v31+s20+$0x0], $0xffff  }
0x12e: {  	s24 =	simm.s32 $0x20;
	s9 =	simm.s32 $0x30;
	v43 =	vadd.s32 $0x480, v58;
	v48 =	vadd.f32 v61, v2;
	[tilespmem:s6+$0x100] =	vst v49;
	v54 =	vld.idx.msk [tilespmem:v57+s2+$0x0], $0xffff;
	v49 =	vadd.s32 $0x6C0, v29  }
.LBB2_7:
0x12f: {  	v0 =	vld.idx.msk [tilespmem:v56+s20+$0x0], $0xffff;
	s3 =	sadd.s32 $0x10, s3;
	s4 =	sadd.s32 $0x10, s4;
	v1 =	vadd.f32 v38, v50;
	v2 =	vadd.s32 $0x50, v26;
	s23 =	sadd.s32 $0x80, s23;
	[tilespmem:s1+$0x280] =	vst v46;
	v3 =	vadd.f32 v45, v41  }
0x130: {  	p0 =	sne.s32 s9, $0x360;
	v41 =	vadd.s32 $0x360, v36;
	v40 =	vadd.f32 v48, v40;
	s10 =	smov.u32 s9;
	s9 =	sadd.s32 $0x10, s9;
	v45 =	vld [tilespmem:s3+$0x0];
	[tilespmem:s6+$0x180] =	vst v55;
	v38 =	vadd.f32 v52, v42  }
0x131: {  	v46 =	vmul.f32 v35, v22;
	v48 =	vmul.f32 v35, v18;
	v42 =	vld [tilespmem:s4+$0x0];
	v1 =	vadd.f32 v1, v39;
	[tilespmem:s1+$0x380] =	vst v3  }
0x132: {  	v50 =	vmul.f32 v30, v23;
	v52 =	vadd.s32 $0x7E0, v29;
	v39 =	vmul.f32 v35, v20;
	v3 =	vld.idx.msk [tilespmem:v53+s20+$0x0], $0xffff;
	[tilespmem:s1+$0x300] =	vst v40  }
0x133: {  	v53 =	vmul.f32 v35, v14;
	v40 =	vld.idx.msk [tilespmem:v47+s2+$0x0], $0xffff;
	v47 =	vmul.f32 v30, v21;
	[tilespmem:s6+$0x0] =	vst v1;
	v1 =	vadd.s32 $0x5A0, v29  }
0x134: {  	v46 =	vadd.f32 v50, v46;
	v50 =	vadd.s32 $0x70, v26;
	v4 =	vadd.f32 v51, v54;
	v57 =	vld.idx.msk [tilespmem:v33+s2+$0x0], $0xffff;
	[tilespmem:s1+$0x200] =	vst v38;
	s1 =	smov.u32 s6  }
0x135: {  	v51 =	vmul.f32 v35, v8;
	v39 =	vadd.f32 v47, v39;
	v47 =	vmul.f32 v35, v12;
	v2 =	vld.idx.msk [tilespmem:v2+s20+$0x0], $0xffff  }
0x136: {  	v55 =	vadd.s32 $0x60, v26;
	v54 =	vmul.f32 v35, v9;
	v29 =	vmovc v36;
	v46 =	vadd.f32 v4, v46;
	v49 =	vld.idx.msk [tilespmem:v49+s2+$0x0], $0xffff  }
0x137: {  	v56 =	vmul.f32 v30, v19;
	v58 =	vadd.s32 $0x40, v26;
	v26 =	vmovc v31;
	v36 =	vmul.f32 v27, v10;
	v52 =	vld.idx.msk [tilespmem:v52+s2+$0x0], $0xffff  }
0x138: {  	v59 =	vmul.f32 v27, v11;
	v31 =	vmul.f32 v27, v15;
	v38 =	vmovc v44;
	v33 =	vmov v43;
	v1 =	vld.idx.msk [tilespmem:v1+s2+$0x0], $0xffff  }
0x139: {  	v27 =	vmul.f32 v27, v13;
	v3 =	vadd.f32 v3, v40;
	v40 =	vadd.f32 v36, v37;
	v43 =	vld.idx.msk [tilespmem:v50+s20+$0x0], $0xffff  }
0x13a: {  	v62 =	vadd.f32 v31, v28;
	v28 =	vmovc v53;
	v60 =	vand.u32 $0x7F, v45;
	v61 =	vld.idx.msk [tilespmem:v41+s2+$0x0], $0xffff;
	v41 =	vadd.f32 v59, v34  }
0x13b: {  	s6 =	sand.u32 $0x1C00, s23;
	v35 =	vmul.f32 v35, v17;
	v31 =	vadd.s32 v24, v42;
	v42 =	vadd.f32 v27, v32;
	v55 =	vld.idx.msk [tilespmem:v55+s20+$0x0], $0xffff  }
0x13c: {  	s11 =	sand.u32 $0x70, s24;
	s24 =	smov.u32 s10;
	v44 =	vmul.f32 v30, v16;
	s6 =	sadd.s32 s6, s5;
	v32 =	vmovc v47;
	v36 =	vadd.s32 v25, v45;
	v59 =	vadd.s32 $0x10, v31;
	v58 =	vld.idx.msk [tilespmem:v58+s20+$0x0], $0xffff  }
0x13d: {  	s8 =	sadd.s32 $0x10, s8;
	v4 =	vadd.f32 v56, v48;
	s6 =	sadd.s32 s11, s6;
	v37 =	vmovc v54;
	v63 =	vadd.s32 $0x120, v36;
	v47 =	vadd.s32 $0x240, v36;
	v34 =	vmovc v51;
	v50 =	vld.idx.msk [tilespmem:v29+s2+$0x0], $0xffff  }
.Ltmp2:
0x13e: {  	s25 =	sadd.s32 $0x10, s25;
	v53 =	vadd.s32 $0x20, v31;
	v56 =	vadd.s32 $0x30, v31;
	v27 =	vmovc v30;
	[tilespmem:s6+$0x80] =	vst v46;
	v46 =	vadd.f32 v44, v35;
	v30 =	vld [tilespmem:s8+$0x0];
	(pc) =	sbr.rel @p0 .LBB2_7-.Ltmp2, $4  }
0x13f: {  	v48 =	vand.u32 $0xFFFFFF80, v36;
	v1 =	vadd.f32 v2, v1;
	v45 =	vadd.f32 v43, v52;
	v35 =	vld [tilespmem:s25+$0x0]  }
0x140: {  	v2 =	vor.u32 v60, v48;
	v0 =	vadd.f32 v0, v61;
	v44 =	vld.idx.msk [tilespmem:v31+s20+$0x0], $0xffff;
	v3 =	vadd.f32 v3, v46  }
0x141: {  	v43 =	vadd.s32 $0x480, v2;
	v46 =	vadd.f32 v1, v62;
	v48 =	vadd.f32 v55, v49;
	v51 =	vld.idx.msk [tilespmem:v59+s20+$0x0], $0xffff  }
0x142: {  	v49 =	vadd.s32 $0x6C0, v29;
	v55 =	vadd.f32 v0, v4;
	v52 =	vadd.f32 v58, v57;
	v54 =	vld.idx.msk [tilespmem:v63+s2+$0x0], $0xffff;
	[tilespmem:s6+$0x100] =	vst v3  }
0x143: {  	_ =	sdelay $0x2  }
0x144: {  	v0 =	vadd.s32 $0x360, v36  }
0x145: {  	v1 =	vld.idx.msk [tilespmem:v56+s20+$0x0], $0xffff;
	v2 =	vadd.f32 v38, v50  }
0x146: {  	v3 =	vadd.s32 $0x50, v26;
	v60 =	vld.idx.msk [tilespmem:v53+s20+$0x0], $0xffff;
	v61 =	vmul.f32 v30, v23;
	v56 =	vadd.s32 $0x7E0, v29  }
0x147: {  	v47 =	vld.idx.msk [tilespmem:v47+s2+$0x0], $0xffff;
	v57 =	vmul.f32 v30, v21;
	v29 =	vadd.s32 $0x5A0, v29;
	v59 =	vmul.f32 v30, v19  }
0x148: {  	v4 =	vmul.f32 v35, v22;
	v62 =	vmul.f32 v35, v20;
	v2 =	vadd.f32 v2, v39;
	v39 =	vld.idx.msk [tilespmem:v36+s2+$0x0], $0xffff  }
0x149: {  	v58 =	vadd.s32 $0x70, v26;
	v50 =	vmul.f32 v35, v18;
	[tilespmem:s6+$0x180] =	vst v55;
	v63 =	vmul.f32 v35, v17;
	v0 =	vld.idx.msk [tilespmem:v0+s2+$0x0], $0xffff  }
0x14a: {  	v4 =	vadd.f32 v61, v4;
	[tilespmem:s6+$0x0] =	vst v2;
	v2 =	vadd.f32 v57, v62;
	v57 =	vmul.f32 v30, v16  }
0x14b: {  	s3 =	sadd.s32 $0x80, s23;
	v61 =	vadd.s32 $0x60, v26;
	v50 =	vadd.f32 v59, v50;
	v51 =	vadd.f32 v51, v54;
	v33 =	vld.idx.msk [tilespmem:v33+s2+$0x0], $0xffff  }
0x14c: {  	s3 =	sand.u32 $0x1C00, s3;
	v62 =	vadd.s32 $0x40, v26;
	v38 =	vadd.f32 v60, v47;
	v3 =	vld.idx.msk [tilespmem:v3+s20+$0x0], $0xffff;
	v60 =	vadd.f32 v57, v63  }
0x14d: {  	s4 =	sand.u32 $0x70, s24;
	s3 =	sadd.s32 s3, s5;
	v49 =	vld.idx.msk [tilespmem:v49+s2+$0x0], $0xffff;
	v4 =	vadd.f32 v51, v4;
	v39 =	vadd.f32 v44, v39  }
0x14e: {  	[tilespmem:s1+$0x280] =	vst v46;
	s3 =	sadd.s32 s4, s3;
	v29 =	vld.idx.msk [tilespmem:v29+s2+$0x0], $0xffff;
	v38 =	vadd.f32 v38, v60;
	v0 =	vadd.f32 v1, v0  }
0x14f: {  	v44 =	vld.idx.msk [tilespmem:v58+s20+$0x0], $0xffff;
	[tilespmem:s3+$0x80] =	vst v4;
	v4 =	vadd.s32 $0x50, v31;
	v2 =	vadd.f32 v39, v2  }
0x150: {  	v63 =	vadd.s32 $0x6C0, v36;
	v39 =	vadd.f32 v52, v42;
	v52 =	vld.idx.msk [tilespmem:v61+s20+$0x0], $0xffff;
	[tilespmem:s3+$0x100] =	vst v38;
	v0 =	vadd.f32 v0, v50  }
0x151: {  	v41 =	vadd.f32 v45, v41;
	v40 =	vadd.f32 v48, v40;
	v53 =	vadd.s32 $0x7E0, v36;
	v26 =	vld.idx.msk [tilespmem:v62+s20+$0x0], $0xffff;
	[tilespmem:s3+$0x0] =	vst v2  }
0x152: {  	v45 =	vmul.f32 v35, v14;
	v55 =	vadd.s32 $0x5A0, v36;
	v46 =	vmul.f32 v35, v8;
	v1 =	vld.idx.msk [tilespmem:v56+s2+$0x0], $0xffff;
	[tilespmem:s3+$0x180] =	vst v0  }
0x153: {  	v59 =	vmul.f32 v27, v13;
	v58 =	vadd.s32 $0x70, v31;
	v56 =	vmul.f32 v27, v15;
	v43 =	vld.idx.msk [tilespmem:v43+s2+$0x0], $0xffff  }
0x154: {  	[tilespmem:s1+$0x380] =	vst v41;
	v54 =	vmul.f32 v27, v10;
	v57 =	vmul.f32 v27, v11;
	v60 =	vadd.s32 $0x60, v31;
	v4 =	vld.idx.msk [tilespmem:v4+s20+$0x0], $0xffff  }
0x155: {  	[tilespmem:s1+$0x300] =	vst v40;
	v62 =	vadd.s32 $0x40, v31;
	v3 =	vadd.f32 v3, v29;
	v28 =	vadd.f32 v56, v28;
	v61 =	vld.idx.msk [tilespmem:v63+s2+$0x0], $0xffff  }
0x156: {  	v47 =	vmul.f32 v35, v9;
	v37 =	vadd.f32 v54, v37;
	v34 =	vadd.f32 v57, v34;
	v0 =	vld.idx.msk [tilespmem:v53+s2+$0x0], $0xffff  }
0x157: {  	v51 =	vmul.f32 v30, v10;
	v27 =	vadd.f32 v59, v32;
	v3 =	vadd.f32 v3, v28;
	v2 =	vld.idx.msk [tilespmem:v55+s2+$0x0], $0xffff  }
0x158: {  	v56 =	vmul.f32 v30, v13;
	v49 =	vadd.f32 v52, v49;
	v26 =	vadd.f32 v26, v33;
	v50 =	vld.idx.msk [tilespmem:v58+s20+$0x0], $0xffff  }
0x159: {  	v52 =	vmul.f32 v30, v15;
	v28 =	vadd.f32 v51, v47;
	v1 =	vadd.f32 v44, v1;
	v53 =	vld.idx.msk [tilespmem:v60+s20+$0x0], $0xffff  }
0x15a: {  	v55 =	vmul.f32 v30, v11;
	v31 =	vld.idx.msk [tilespmem:v62+s20+$0x0], $0xffff;
	v26 =	vadd.f32 v26, v27;
	v54 =	vadd.f32 v49, v37  }
0x15b: {  	[tilespmem:s1+$0x200] =	vst v39;
	v63 =	vmul.f32 v35, v12;
	v57 =	vadd.f32 v52, v45;
	v1 =	vadd.f32 v1, v34  }
0x15c: {  	[tilespmem:s6+$0x280] =	vst v3;
	v3 =	vadd.f32 v55, v46;
	v2 =	vadd.f32 v4, v2  }
0x15d: {  	v58 =	vadd.f32 v56, v63;
	[tilespmem:s6+$0x300] =	vst v54;
	v0 =	vadd.f32 v50, v0  }
0x15e: {  	[tilespmem:s6+$0x200] =	vst v26;
	v4 =	vadd.f32 v53, v61;
	v2 =	vadd.f32 v2, v57  }
0x15f: {  	[tilespmem:s6+$0x380] =	vst v1;
	v59 =	vadd.f32 v31, v43;
	v0 =	vadd.f32 v0, v3  }
0x160: {  	v60 =	vadd.f32 v4, v28;
	[tilespmem:s3+$0x280] =	vst v2  }
0x161: {  	v1 =	vadd.f32 v59, v58;
	[tilespmem:s3+$0x380] =	vst v0  }
0x162: {  	[tilespmem:s3+$0x300] =	vst v60  }
0x163: {  	[tilespmem:s3+$0x200] =	vst v1  }
0x164: {  	v0 =	vld [tilespmem:$0x1B363]  }
0x165: {  	v1 =	vld [tilespmem:$0x1B6E3];
	_ =	sdelay $0x3  }
0x166: {  	v61 =	vadd.s32 v25, v0  }
0x167: {  	v1 =	vadd.s32 v24, v1  }
0x168: {  	v3 =	vadd.s32 $0x120, v61  }
0x169: {  	v4 =	vld [tilespmem:$0x1BA63];
	v24 =	vadd.s32 $0x10, v1  }
0x16a: {  	v25 =	vld [tilespmem:$0x1BDE3];
	v63 =	vadd.s32 $0x240, v61  }
0x16b: {  	v33 =	vadd.s32 $0x360, v61;
	v62 =	vld.idx.msk [tilespmem:v61+s2+$0x0], $0xffff  }
0x16c: {  	v35 =	vadd.s32 $0x20, v1;
	v34 =	vld.idx.msk [tilespmem:v1+s20+$0x0], $0xffff  }
0x16d: {  	v36 =	vadd.s32 $0x30, v1;
	v3 =	vld.idx.msk [tilespmem:v3+s2+$0x0], $0xffff  }
0x16e: {  	v24 =	vld.idx.msk [tilespmem:v24+s20+$0x0], $0xffff  }
0x16f: {  	v37 =	vmul.f32 v4, v20;
	v27 =	vld.idx.msk [tilespmem:v63+s2+$0x0], $0xffff  }
0x170: {  	v39 =	vmul.f32 v4, v22;
	v42 =	vmul.f32 v4, v17;
	v28 =	vld.idx.msk [tilespmem:v33+s2+$0x0], $0xffff  }
0x171: {  	v38 =	vmul.f32 v25, v21;
	v40 =	vmul.f32 v25, v23;
	v30 =	vld.idx.msk [tilespmem:v35+s20+$0x0], $0xffff  }
0x172: {  	v44 =	vmul.f32 v4, v18;
	v43 =	vmul.f32 v25, v16;
	v41 =	vld.idx.msk [tilespmem:v36+s20+$0x0], $0xffff  }
0x173: {  	v45 =	vmul.f32 v25, v19;
	v20 =	vadd.f32 v38, v37;
	v22 =	vadd.f32 v40, v39  }
0x174: {  	v0 =	vand.u32 $0x7F, v0;
	v16 =	vadd.f32 v43, v42;
	v26 =	vadd.f32 v34, v62  }
0x175: {  	v46 =	vand.u32 $0xFFFFFF80, v61;
	v18 =	vadd.f32 v45, v44;
	v3 =	vadd.f32 v24, v3  }
0x176: {  	v0 =	vor.u32 v0, v46;
	v47 =	vadd.f32 v30, v27;
	v20 =	vadd.f32 v26, v20  }
0x177: {  	v0 =	vadd.s32 $0x480, v0;
	v48 =	vadd.f32 v41, v28;
	v3 =	vadd.f32 v3, v22  }
0x178: {  	v49 =	vadd.s32 $0x5A0, v61;
	v16 =	vadd.f32 v47, v16;
	[tilespmem:s0+$0x1D663] =	vst v20  }
0x179: {  	v50 =	vadd.s32 $0x40, v1;
	[tilespmem:s0+$0x1D6E3] =	vst v3;
	v3 =	vadd.f32 v48, v18  }
0x17a: {  	v51 =	vadd.s32 $0x50, v1;
	[tilespmem:s0+$0x1D763] =	vst v16  }
0x17b: {  	v2 =	vadd.s32 $0x7E0, v61;
	[tilespmem:s0+$0x1D7E3] =	vst v3  }
0x17c: {  	v53 =	vadd.s32 $0x60, v1;
	v0 =	vld.idx.msk [tilespmem:v0+s2+$0x0], $0xffff  }
0x17d: {  	v1 =	vadd.s32 $0x70, v1;
	v52 =	vld.idx.msk [tilespmem:v49+s2+$0x0], $0xffff  }
0x17e: {  	v3 =	vadd.s32 $0x6C0, v61;
	v17 =	vld.idx.msk [tilespmem:v50+s20+$0x0], $0xffff  }
0x17f: {  	v16 =	vld.idx.msk [tilespmem:v51+s20+$0x0], $0xffff  }
0x180: {  	v54 =	vmul.f32 v4, v12;
	v2 =	vld.idx.msk [tilespmem:v2+s2+$0x0], $0xffff  }
0x181: {  	v56 =	vmul.f32 v4, v14;
	v59 =	vmul.f32 v4, v9;
	v19 =	vld.idx.msk [tilespmem:v53+s20+$0x0], $0xffff  }
0x182: {  	v55 =	vmul.f32 v25, v13;
	v57 =	vmul.f32 v25, v15;
	v1 =	vld.idx.msk [tilespmem:v1+s20+$0x0], $0xffff  }
0x183: {  	v4 =	vmul.f32 v4, v8;
	v60 =	vmul.f32 v25, v10;
	v3 =	vld.idx.msk [tilespmem:v3+s2+$0x0], $0xffff  }
0x184: {  	v8 =	vmul.f32 v25, v11;
	v12 =	vadd.f32 v55, v54;
	v14 =	vadd.f32 v57, v56  }
0x185: {  	v9 =	vadd.f32 v60, v59;
	v0 =	vadd.f32 v17, v0  }
0x186: {  	v62 =	vadd.f32 v8, v4;
	v58 =	vadd.f32 v16, v52  }
0x187: {  	s24 =	smul.u32 $0x1C00, s31;
	s31 =	sadd.s32 $0x1, s31;
	v1 =	vadd.f32 v1, v2;
	v0 =	vadd.f32 v0, v12  }
0x188: {  	p0 =	sne.s32 s31, $0x20;
	v61 =	vadd.f32 v58, v14;
	v3 =	vadd.f32 v19, v3  }
.Ltmp3:
0x189: {  	v1 =	vadd.f32 v1, v62;
	[tilespmem:s0+$0x1D863] =	vst v0;
	(pc) =	sbr.rel @p0 .LBB2_6-.Ltmp3, $4  }
0x18a: {  	s1 =	sadd.s32 s17, s24;
	[tilespmem:s0+$0x1D8E3] =	vst v61;
	v63 =	vadd.f32 v3, v9  }
0x18b: {  	s1 =	sshrl.u32 s1, $0x3;
	[tilespmem:s0+$0x1D9E3] =	vst v1  }
0x18c: {  	s25 =	sadd.s32 s7, s1;
	[tilespmem:s0+$0x1D963] =	vst v63  }
0x18d: {  	v4 =	vlaneseq.u32;
	[hbm4b:s25+s2] =	stream.linear.scatter [tilespmem:s5], [sflag:$0x1], $0x1C00, $0x38;
	[tilespmem:$0x1F600] =	vst v63  }
0x18e: {  	s29 =	sadd.s32 $0x1, s29  }
0x18f: {  	_ =	swait.ge [sflag:s28], $0x1C00;
	p0 =	sne.s32 s29, s18  }
.Ltmp4:
0x190: {  	[sflag:s28] =	ssyncset.done $0x0;
	(pc) =	sbr.rel @p0 .LBB2_1-.Ltmp4, $4  }
0x191: {  	[sflag:s28] =	ssyncadd.s32 $0xFFFFE400  }
0x192: {  	_ =	swait.ge [sflag:s28], $0x1C00  }
0x193: {  	[sflag:s28] =	ssyncset.done $0x0  }
0x194: {  	s11 =	simm.s32 $0x1B000;
	[sflag:s28] =	ssyncadd.s32 $0xFFFFE400  }
0x195: {  	_ =	sfence.sel $0x180000  }
0x196: {  	[bflag:$0x0] =	sbarrier.arrive $0xFFFF  }
0x197: {  	_ =	strace $0x90000047  }
0x198: {  	s0 =	stileid.u32;
	[bflag:$0x2] =	sbarrier.arrive $0xFFFF  }
0x199: {  	p0 =	sne.s32 s0, $0x0;
	s0 =	rddreg [dreg:$0x2]  }
0x19a: {  	s0 =	sadd.s32 @!p0 $0x100000, s0  }
0x19b: {  	[sflag:s0] =	ssyncadd.tile.s32 @!p0 $0x1;
	_ =	shalt  }
.Lfunc_end2:
_tile_overlayer_lowered:
.L_overlay_start_2:
0x19c: {  	(tag) =	ssettag $0x2  }
0x19d: {  	s0 =	rddreg [dreg:$0x0];
	s2 =	stileid.u32  }
0x19e: {  	s1 =	rddreg [dreg:$0x1];
	p0 =	sne.s32 s2, $0x0  }
0x19f: {  	s3 =	rddreg [dreg:$0x2];
	[bflag:$0x3] =	sbarrier.arrive $0xFFFF;
	s2 =	simm.s32 @!p0 $0x1C02  }
0x1a0: {  	[timem:s3], [sflag:s2] =	dma.local @!p0 [hbm:s0], s1  }
0x1a1: {  	s0 =	simm.s32 @!p0 $0x2  }
0x1a2: {  	_ =	swait.ge @!p0 [sflag:s0], s1  }
0x1a3: {  	s1 =	ssub.s32 @!p0 $0x0, s1;
	[sflag:s0] =	ssyncset.done @!p0 $0x0  }
0x1a4: {  	[sflag:s0] =	ssyncadd.s32 @!p0 s1  }
0x1a5: {  	[bflag:$0x3] =	sbarrier.arrive $0xFFFF  }
0x1a6: {  	_ =	shalt  }

// kernel: sparse-core-data-format-call.cloned.1.call-start
scs
called_computation_lowered:
.L_overlay_start_0:
0x0: {  	s2 =	sld [smem:$0x3FD9]  }
0x1: {  	s3 =	sld [smem:$0x3FFE];
	_ =	sdelay $0x1  }
0x2: {  	s1 =	srdreg.scid  }
0x3: {  	s0 =	sand.u32 $0x1, s1  }
0x4: {  	s18 =	sshll.u32 s0, $0xA;
	s2 =	sadd.s32 s3, s2  }
0x5: {  	s2 =	sadd.s32 s2, s18  }
0x6: {  	[smem:$0x3FC1] =	sst s2  }
0x7: {  	_ = 	snop  }
0x8: {  	s2 =	sld [smem:$0x3FD0];
	(tm) =	ssettm $0x1  }
0x9: {  	s19 =	sld [smem:$0x3FFB];
	_ =	sdelay $0x3  }
0xa: {  	_ =	strace s19  }
0xb: {  	s3 =	sld [smem:$0x3FFC];
	_ =	sdelay $0x3  }
0xc: {  	_ =	strace s3  }
0xd: {  	s3 =	sld [smem:$0x3FFD];
	_ =	sdelay $0x3  }
0xe: {  	_ =	strace s3  }
0xf: {  	_ =	strace $0x8FFFFFFF  }
0x10: {  	s20 =	sld [smem:$0x3FDB];
	_ =	sdelay $0x1  }
0x11: {  	s4 =	simm.s32 $_scs_section_size  }
0x12: {  	s5 =	simm.s32 $_size__tile_overlayer_lowered;
	s6 =	simm.s32 $_tile_overlayer_lowered  }
0x13: {  	s23 =	simm.s32 $0x1BFF;
	s22 =	sshll.u32 s6, $0x1;
	s3 =	sadd.s32 s4, s20  }
0x14: {  	s7 =	simm.s32 $0x0;
	s21 =	sshll.u32 s5, $0x1;
	s5 =	sadd.s32 s22, s3  }
0x15: {  	[timem:s7], [sflag:s23] =	dma.local [hbm:s5], s21  }
0x16: {  	_ =	swait.ge [sflag:s23], s21  }
0x17: {  	s4 =	ssub.s32 $0x0, s21;
	[sflag:s23] =	ssyncset.done $0x0  }
0x18: {  	[sflag:s23] =	ssyncadd.s32 s4;
	_ =	sdelay $0x1  }
0x19: {  	s24 =	simm.s32 $0x1B8B  }
0x1a: {  	_ =	swait.ge [sflag:s24], $0x1  }
0x1b: {  	[sflag:s24] =	ssyncset.done $0x0  }
0x1c: {  	s26 =	simm.s32 $0x1B8E;
	s25 =	sld [smem:$0x3FFE];
	[sflag:s24] =	ssyncadd.s32 $0xFFFFFFFF  }
0x1d: {  	s27 =	simm.s32 $execute0_lowered;
	[smem:$0x3FD2] =	sst s26  }
0x1e: {  	s5 =	sshll.u32 s27, $0x1;
	_ =	strace $0x80000049;
	[dreg:$0x1] =	wrdreg $0xFFFFFFFF  }
0x1f: {  	s28 =	simm.s32 $_size_execute0_lowered;
	s3 =	sadd.s32 s3, s5;
	[dreg:$0x0] =	wrdreg $0x0  }
0x20: {  	s5 =	sshll.u32 s28, $0x1;
	[dreg:$0x2] =	wrdreg s3  }
0x21: {  	[dreg:$0x3] =	wrdreg s5  }
0x22: {  	[dreg:$0x4] =	wrdreg $0xC0  }
0x23: {  	_ =	task [dreg:s7], $0x5FFFF  }
0x24: {  	[dreg:$0x1] =	wrdreg $0xFFFFFFFF  }
0x25: {  	[dreg:$0x0] =	wrdreg $0x60  }
0x26: {  	[dreg:$0x2] =	wrdreg s25  }
0x27: {  	[dreg:$0x3] =	wrdreg s2  }
0x28: {  	[dreg:$0x4] =	wrdreg $0x9  }
0x29: {  	_ =	task.clear_ibuf [dreg:s7], $0x5FFFF;
	_ =	strace $0x90000049  }
0x2a: {  	s29 =	simm.s32 $0x9;
	_ =	strace $0x8000004B  }
0x2b: {  	_ =	swait.ge [sflag:s29], $0x1  }
0x2c: {  	[sflag:s29] =	ssyncadd.s32 $0xFFFFFFFF  }
0x2d: {  	_ =	strace $0x9000004B  }
0x2e: {  	_ =	sfence  }
0x2f: {  	s30 =	sld [smem:$0x0];
	_ =	sdelay $0x2  }
0x30: {  	s31 =	sshll.u32 s1, $0xD;
	s1 =	sshrl.u32 s1, $0x2  }
0x31: {  	s3 =	sand.u32 $0x4000, s31;
	s1 =	sadd.s32 s1, s30  }
0x32: {  	s0 =	sor.u32 s3, s0;
	s1 =	sshll.u32 s1, $0x11  }
0x33: {  	s0 =	sor.u32 s1, s0  }
0x34: {  	s0 =	sadd.s32 $0x8F2B, s0  }
0x35: {  	[sflag:s0] =	ssyncadd.remote.s32 $0x1  }
0x36: {  	_ =	sfence.sel $0xFFFF  }
0x37: {  	[dreg:$0x0] =	wrdreg $0xFFFFFFFF;
	(pc) =	sbr.abs _section_cstart, $3  }
0x38: {  	[dreg:$0x1] =	wrdreg $0xFFFFFFFF  }
0x39: {  	_ =	task.clear_ibuf [dreg:s7], $0x2FFFF;
	_ =	strace $0x9FFFFFFF  }
0x3a: {  	(tm) =	ssettm $0x7FFFFFFF  }
0x3b: {  	_ =	shalt  }
tec
execute0_lowered:
.L_overlay_start_1:
0x0: {  	(tag) =	ssettag $0x1  }
0x1: {  	s1 =	rddreg [dreg:$0x0]  }
0x2: {  	s2 =	rddreg [dreg:$0x1]  }
0x3: {  	s0 =	rddreg [dreg:$0x2]  }
0x4: {  	s4 =	srdreg.scid;
	_ =	strace $0x8000004A;
	s6 =	simm.s32 $0x2  }
0x5: {  	s14 =	simm.s32 $0x0;
	p0 =	por $0x0, $0x0;
	s15 =	simm.s32 $0x0  }
0x6: {  	s16 =	simm.s32 $0x0;
	s7 =	simm.s32 $0x0;
	s9 =	simm.s32 $0x0  }
.Ltmp0:
0x7: {  	s10 =	simm.s32 $0x0;
	s11 =	simm.s32 $0x0;
	(pc) =	sbr.rel .LBB1_1-.Ltmp0, $4  }
0x8: {  	s12 =	simm.s32 $0x0;
	s3 =	sadd.s32 $0x9800, s1;
	s4 =	sshll.u32 s4, $0x4  }
0x9: {  	s1 =	stileid.u32;
	s5 =	sand.u32 $0x10, s4;
	s4 =	simm.s32 $0x1  }
0xa: {  	s8 =	simm.s32 $0x0;
	s5 =	sor.u32 s1, s5;
	[sflag:s4] =	ssyncpa.u1 $0x0  }
0xb: {  	[sflag:s6] =	ssyncpa.u1 $0x0;
	s6 =	simm.s32 $0x100;
	s13 =	smov.u32 s5  }
.LBB1_5:
0xc: {  	p1 =	slt.u32 s8, $0x2  }
0xd: {  	p2 =	sgt.s32 @!p1 s16, $0x3F  }
0xe: {  	s17 =	smov.u32 s16;
	s18 =	sshra.s32 @!p1 s16, $0x1F;
	p2 =	por !p2, p1  }
0xf: {  	s16 =	sand.u32 @!p1 s18, s16;
	s17 =	simm.s32 @p2 $0x3F  }
0x10: {  	p3 =	sgt.s32 @!p1 s15, $0x80;
	s16 =	ssub.s32 @!p1 s17, s16  }
0x11: {  	p3 =	por !p3, p1;
	s18 =	sshra.s32 @!p1 s15, $0x1F;
	s17 =	sadd.s32 @!p1 $0xFFFFFFC1, s16  }
0x12: {  	s16 =	ssub.s32 @!p1 $0x40, s16;
	p2 =	sgt.s32 @!p1 s17, $0x0;
	s17 =	smov.u32 s15  }
0x13: {  	s15 =	sand.u32 @!p1 s18, s15;
	s17 =	simm.s32 @p3 $0x80;
	p3 =	sgt.s32 @!p1 s14, $0x2F3  }
0x14: {  	s18 =	smov.u32 s14;
	p2 =	por !p2, p1;
	p3 =	por !p3, p1  }
0x15: {  	s15 =	ssub.s32 @!p1 s17, s15;
	s17 =	sshra.s32 @!p1 s14, $0x1F;
	s16 =	simm.s32 @!p2 $0x0  }
0x16: {  	s18 =	simm.s32 @p3 $0x2F3;
	s14 =	sand.u32 @!p1 s17, s14;
	s17 =	sadd.s32 @!p1 $0xFFFFFF80, s15  }
0x17: {  	s15 =	ssub.s32 @!p1 $0x100, s15;
	s14 =	ssub.s32 @!p1 s18, s14;
	p2 =	sgt.s32 @!p1 s17, $0x7F  }
0x18: {  	s18 =	smov.u32 s12;
	s17 =	sadd.s32 @!p1 $0xFFFFFD0D, s14;
	p2 =	por !p2, p1  }
0x19: {  	s14 =	ssub.s32 @!p1 $0x373, s14;
	p3 =	sgt.s32 @!p1 s17, $0x7F;
	s15 =	simm.s32 @!p2 $0x0  }
0x1a: {  	s17 =	sadd.s32 $0x80, s11;
	p2 =	por !p3, p1;
	s15 =	smul.u32 @!p1 s16, s15  }
0x1b: {  	s16 =	sadd.s32 $0x80, s12;
	s14 =	simm.s32 @!p2 $0x0;
	p2 =	sgt.s32 s17, $0x372  }
0x1c: {  	s19 =	smov.u32 s13;
	s18 =	smov.u32 @p2 s16  }
0x1d: {  	s14 =	smul.u32 @!p1 s14, s15;
	s15 =	sadd.s32 $0x20, s13;
	p3 =	sgt.s32 s18, $0xFF  }
0x1e: {  	s8 =	sadd.s32 $0x1, s8;
	p0 =	por !p0, !p0;
	s19 =	smov.u32 @p3 s15  }
0x1f: {  	s20 =	simm.s32 @!p1 $0x2;
	s17 =	simm.s32 @p2 $0x0;
	p2 =	sgt.s32 s19, $0x3F  }
0x20: {  	s16 =	smov.u32 s10;
	s19 =	smov.u32 @p2 s5;
	p2 =	sne.s32 s8, $0x1E  }
.Ltmp1:
0x21: {  	s10 =	smov.u32 s13;
	s14 =	sand.u32 @!p1 $0x3FFFFFFF, s14;
	(pc) =	sbr.rel @!p2 .LBB1_6-.Ltmp1, $4  }
0x22: {  	s18 =	simm.s32 @p3 $0x0;
	s15 =	smov.u32 s9;
	s9 =	smov.u32 s12  }
0x23: {  	_ =	swait.ge @!p1 [sflag:s20], s14;
	s21 =	ssub.s32 @!p1 $0x0, s14;
	s14 =	smov.u32 s7  }
0x24: {  	s7 =	smov.u32 s11;
	s11 =	smov.u32 s17;
	[sflag:s20] =	ssyncset.done @!p1 $0x0  }
0x25: {  	s12 =	smov.u32 s18;
	[sflag:s20] =	ssyncadd.s32 @!p1 s21;
	s13 =	smov.u32 s19  }
.LBB1_1:
0x26: {  	p1 =	sgt.u32 s8, $0x1B  }
0x27: {  	s17 =	sshrl.u32 @!p1 s12, $0x3  }
0x28: {  	s18 =	sshll.u32 @!p1 s11, $0x3;
	s17 =	smul.u32 @!p1 $0x1C00, s17  }
0x29: {  	s19 =	sshll.u32 @!p1 s12, $0x7;
	s18 =	sand.u32 @!p1 $0xFFFFFC00, s18  }
0x2a: {  	s17 =	sadd.s32 @!p1 s17, s18;
	s18 =	sand.u32 @!p1 $0x380, s19  }
0x2b: {  	s17 =	sor.u32 @!p1 s18, s17  }
0x2c: {  	s18 =	sshrl.u32 @!p1 s17, $0x7  }
0x2d: {  	s18 =	smulhi.u32 @!p1 $0x24924925, s18;
	_ =	sdelay $0x1  }
0x2e: {  	s20 =	sand.u32 @!p1 $0x7F, s11;
	s19 =	sxor.u32 @!p1 $0xFFFFFFFF, s8;
	s21 =	smul.u32 @!p1 $0x380, s18  }
0x2f: {  	s17 =	sor.u32 @!p1 s20, s17;
	s20 =	smul.u32 @!p1 $0x7000, s13;
	s18 =	sand.u32 @!p1 $0xFF, s18  }
0x30: {  	s19 =	sshll.u32 @!p1 s19, $0xE;
	s18 =	smul.u32 @!p1 $0x70, s18;
	s17 =	ssub.s32 @!p1 s17, s21  }
0x31: {  	s19 =	sand.u32 @!p1 $0x4000, s19;
	s20 =	sadd.s32 @!p1 s3, s20;
	s21 =	sand.u32 @!p1 $0x7, s17  }
0x32: {  	s17 =	sshrl.u32 @!p1 s17, $0x3;
	s18 =	sadd.s32 @!p1 s18, s20;
	s20 =	sshll.u32 @!p1 s21, $0x12  }
0x33: {  	s17 =	sadd.s32 @!p1 s17, s18;
	s18 =	sor.u32 @!p1 $0x400, s20;
	s20 =	simm.s32 @!p1 $0x1C00  }
0x34: {  	[tilespmem:s19], [sflag:$0x1] =	stream.strided.gather @!p1 [hbm4b:s17+s18], $0x4000, s20, s18, $0x38;
	[tilespmem:$0x10100] =	vst v63  }
0x35: {  	p1 =	seq.s32 s8, $0x0  }
0x36: {  	p2 =	seq.s32 @!p1 s8, $0x1D  }
0x37: {  	p1 =	por p1, p2  }
.Ltmp2:
0x38: {  	_ = 	snop;
	(pc) =	sbr.rel @p1 .LBB1_5-.Ltmp2, $1  }
0x39: {  	_ =	sdelay $0x3  }
0x3a: {  	s17 =	simm.s32 $0x1  }
0x3b: {  	_ =	swait.ge [sflag:s4], $0x4000;
	s17 =	simm.s32 @!p0 $0x0  }
0x3c: {  	[sflag:s4] =	ssyncset.done $0x0;
	s18 =	sshll.u32 s17, $0xE  }
0x3d: {  	[sflag:s4] =	ssyncadd.s32 $0xFFFFC000;
	s18 =	sor.u32 $0x40, s18  }
0x3e: {  	s17 =	smul.u32 $0x10200, s17;
	v0 =	vld [tilespmem:s18+$0x30]  }
0x3f: {  	v1 =	vld [tilespmem:s18+$0xFFFFFFD0]  }
0x40: {  	s17 =	sshrl.u32 s17, $0x2;
	v5 =	vld [tilespmem:s18+$0xFFFFFFE0]  }
0x41: {  	v6 =	vld [tilespmem:s18+$0xFFFFFFF0];
	s20 =	sor.u32 $0x8000, s17  }
0x42: {  	s31 =	sand.u32 $0x1, s8;
	v4 =	vld [tilespmem:s18+$0x0];
	s19 =	sadd.s32 $0x0, s20  }
0x43: {  	v3 =	vld [tilespmem:s18+$0x10];
	s17 =	smul.u32 $0x10200, s31;
	[tilespmem:s19+$0x3870 ss:$0x81] =	vst.msk $0xffff, v0  }
0x44: {  	v2 =	vld [tilespmem:s18+$0x20];
	[tilespmem:s19+$0x810 ss:$0x81] =	vst.msk $0xffff, v1  }
0x45: {  	s17 =	sshrl.u32 s17, $0x2;
	v1 =	vld [tilespmem:s18+$0xFFFFFFC0];
	[tilespmem:s19+$0x1020 ss:$0x81] =	vst.msk $0xffff, v5;
	s18 =	sadd.s32 $0x80, s18  }
0x46: {  	s21 =	simm.s32 $0x4;
	s22 =	simm.s32 $0x8;
	s17 =	sor.u32 $0x8000, s17;
	[tilespmem:s19+$0x1830 ss:$0x81] =	vst.msk $0xffff, v6;
	v0 =	vld [tilespmem:s18+$0x30]  }
.LBB1_3:
0x47: {  	p1 =	sne.s32 s22, $0x1FC;
	v5 =	vld [tilespmem:s18+$0xFFFFFFD0];
	[tilespmem:s19+$0x2040 ss:$0x81] =	vst.msk $0xffff, v4  }
0x48: {  	v6 =	vld [tilespmem:s18+$0xFFFFFFE0];
	[tilespmem:s19+$0x2850 ss:$0x81] =	vst.msk $0xffff, v3  }
0x49: {  	s23 =	sshra.s32 s21, $0x2;
	s21 =	smov.u32 s22;
	v7 =	vld [tilespmem:s18+$0xFFFFFFF0];
	[tilespmem:s19+$0x3060 ss:$0x81] =	vst.msk $0xffff, v2  }
.Ltmp3:
0x4a: {  	v4 =	vld [tilespmem:s18+$0x0];
	[tilespmem:s19+$0x0 ss:$0x81] =	vst.msk $0xffff, v1;
	s19 =	sadd.s32 s23, s20;
	(pc) =	sbr.rel @p1 .LBB1_3-.Ltmp3, $4  }
0x4b: {  	v3 =	vld [tilespmem:s18+$0x10];
	[tilespmem:s19+$0x3870 ss:$0x81] =	vst.msk $0xffff, v0  }
0x4c: {  	[tilespmem:s19+$0x810 ss:$0x81] =	vst.msk $0xffff, v5;
	v2 =	vld [tilespmem:s18+$0x20]  }
0x4d: {  	v1 =	vld [tilespmem:s18+$0xFFFFFFC0];
	[tilespmem:s19+$0x1020 ss:$0x81] =	vst.msk $0xffff, v6;
	s18 =	sadd.s32 $0x80, s18  }
0x4e: {  	s22 =	sadd.s32 $0x4, s22;
	v0 =	vld [tilespmem:s18+$0x30];
	[tilespmem:s19+$0x1830 ss:$0x81] =	vst.msk $0xffff, v7  }
0x4f: {  	s21 =	sshra.s32 s21, $0x2  }
0x50: {  	p1 =	sgt.s32 s10, $0x3F;
	s22 =	smov.u32 s10;
	s26 =	sshra.s32 s10, $0x1F  }
0x51: {  	s23 =	smov.u32 s9;
	s24 =	sshra.s32 s9, $0x1F;
	s25 =	sshra.s32 s7, $0x1F  }
0x52: {  	s20 =	sadd.s32 s21, s20;
	s22 =	simm.s32 @!p1 $0x3F;
	s21 =	sand.u32 s26, s10  }
0x53: {  	v5 =	vld [tilespmem:s18+$0xFFFFFFD0];
	[tilespmem:s19+$0x2040 ss:$0x81] =	vst.msk $0xffff, v4;
	p1 =	sgt.s32 s9, $0x80;
	s27 =	sand.u32 s24, s9;
	s24 =	smov.u32 s7  }
0x54: {  	v58 =	vld [tilespmem:s18+$0xFFFFFFE0];
	[tilespmem:s19+$0x2850 ss:$0x81] =	vst.msk $0xffff, v3;
	s25 =	sand.u32 s25, s7;
	s26 =	sshll.u32 s7, $0x5;
	s23 =	simm.s32 @!p1 $0x80  }
0x55: {  	v59 =	vld [tilespmem:s18+$0xFFFFFFF0];
	s21 =	ssub.s32 s22, s21;
	p1 =	sgt.s32 s7, $0x2F3;
	[tilespmem:s19+$0x3060 ss:$0x81] =	vst.msk $0xffff, v2;
	s22 =	ssub.s32 s23, s27  }
0x56: {  	v60 =	vld [tilespmem:s18+$0x0];
	s28 =	sadd.s32 $0xFFFFFFC1, s21;
	s24 =	simm.s32 @!p1 $0x2F3;
	[tilespmem:s19+$0x0 ss:$0x81] =	vst.msk $0xffff, v1;
	s21 =	ssub.s32 $0x40, s21  }
0x57: {  	v61 =	vld [tilespmem:s18+$0x10];
	p1 =	sgt.s32 s28, $0x0;
	s29 =	ssub.s32 s24, s25;
	s30 =	sadd.s32 $0xFFFFFF80, s22;
	[tilespmem:s20+$0x3870 ss:$0x81] =	vst.msk $0xffff, v0  }
0x58: {  	v62 =	vld [tilespmem:s18+$0x20];
	s22 =	ssub.s32 $0x100, s22;
	s25 =	smul.u32 $0x6E60, s10;
	p2 =	sgt.s32 s30, $0x7F;
	[tilespmem:s20+$0x810 ss:$0x81] =	vst.msk $0xffff, v5  }
0x59: {  	v63 =	vld [tilespmem:s18+$0xFFFFFFC0];
	s21 =	simm.s32 @p1 $0x0;
	s31 =	sadd.s32 $0xFFFFFD0D, s29;
	[tilespmem:s20+$0x1020 ss:$0x81] =	vst.msk $0xffff, v58;
	s22 =	simm.s32 @p2 $0x0  }
0x5a: {  	s18 =	ssub.s32 $0x373, s29;
	[tilespmem:s20+$0x1830 ss:$0x81] =	vst.msk $0xffff, v59;
	p1 =	sgt.s32 s31, $0x7F;
	s24 =	smul.u32 s21, s22  }
.Ltmp4:
0x5b: {  	s27 =	sshrl.u32 s9, $0x3;
	[tilespmem:s20+$0x2040 ss:$0x81] =	vst.msk $0xffff, v60;
	s18 =	simm.s32 @p1 $0x0;
	(pc) =	sbr.rel .LBB1_5-.Ltmp4, $4  }
0x5c: {  	s28 =	sand.u32 $0x7, s9;
	[tilespmem:s20+$0x2850 ss:$0x81] =	vst.msk $0xffff, v61;
	s21 =	sadd.s32 s2, s25;
	s18 =	smul.u32 s18, s24  }
0x5d: {  	[tilespmem:s20+$0x3060 ss:$0x81] =	vst.msk $0xffff, v62;
	s29 =	sand.u32 $0x1F, s27;
	s30 =	sshll.u32 s28, $0x12;
	s19 =	sadd.s32 s26, s21  }
0x5e: {  	[tilespmem:s20+$0x0 ss:$0x81] =	vst.msk $0xffff, v63;
	s31 =	sor.u32 $0x80, s30;
	s19 =	sadd.s32 s29, s19;
	s18 =	sand.u32 $0x3FFFFFFF, s18  }
0x5f: {  	[hbm4b:s19+s31] =	stream.strided.scatter [tilespmem:s17], [sflag:$0x2], s18, s6, s31, $0x20;
	[tilespmem:$0x10100] =	vst v63  }
.LBB1_6:
0x60: {  	_ =	sfence.sel $0x180000  }
0x61: {  	s2 =	simm.s32 $0x1;
	[bflag:$0x0] =	sbarrier.arrive $0xFFFF  }
0x62: {  	s31 =	simm.s32 $0x2;
	[sflag:s2] =	ssyncpa.u1 $0x1  }
0x63: {  	[sflag:s31] =	ssyncpa.u1 $0x1  }
0x64: {  	p0 =	sne.s32 s1, $0x0;
	_ =	strace $0x9000004A  }
0x65: {  	s0 =	sadd.s32 @!p0 $0x100000, s0;
	[bflag:$0x2] =	sbarrier.arrive $0xFFFF  }
0x66: {  	[sflag:s0] =	ssyncadd.tile.s32 @!p0 $0x1;
	_ =	shalt  }
.Lfunc_end1:
_tile_overlayer_lowered:
.L_overlay_start_2:
0x67: {  	(tag) =	ssettag $0x2  }
0x68: {  	s0 =	rddreg [dreg:$0x0];
	s2 =	stileid.u32  }
0x69: {  	s1 =	rddreg [dreg:$0x1];
	p0 =	sne.s32 s2, $0x0  }
0x6a: {  	s3 =	rddreg [dreg:$0x2];
	[bflag:$0x3] =	sbarrier.arrive $0xFFFF;
	s2 =	simm.s32 @!p0 $0x1C01  }
0x6b: {  	[timem:s3], [sflag:s2] =	dma.local @!p0 [hbm:s0], s1  }
0x6c: {  	s0 =	simm.s32 @!p0 $0x1  }
0x6d: {  	_ =	swait.ge @!p0 [sflag:s0], s1  }
0x6e: {  	s1 =	ssub.s32 @!p0 $0x0, s1;
	[sflag:s0] =	ssyncset.done @!p0 $0x0  }
0x6f: {  	[sflag:s0] =	ssyncadd.s32 @!p0 s1  }
0x70: {  	[bflag:$0x3] =	sbarrier.arrive $0xFFFF  }
0x71: {  	_ =	shalt  }

</sc_bundles>
